<compile_context>
chip_gen: v7x
topology: tpu7x:2x2x1
jax: 0.10.2.dev20260603
libtpu: 0.0.44.dev20260713+nightly
codegen_flags: <defaults>
</compile_context>

<pallas_src>
import functools

import jax
import jax.numpy as jnp
from jax import lax
from jax.experimental import pallas as pl
from jax.experimental.pallas import tpu as pltpu
from jax.experimental.pallas import tpu_sc as plsc

B = 8
N = 4096
S = 1024
K = 32
C_IN = 16
R2 = 0.2 * 0.2
NT = float(B * S * K)



def _fps_kernel(x_ref, y_ref, z_ref, cx_ref, cy_ref, cz_ref):
    x = x_ref[...]
    y = y_ref[...]
    z = z_ref[...]
    lane = lax.broadcasted_iota(jnp.int32, (B, N), 1)
    lane_s = lax.broadcasted_iota(jnp.int32, (B, S), 1)

    def body(i, carry):
        dists, far, cxs, cys, czs = carry
        sel = lane == far
        cx = jnp.sum(jnp.where(sel, x, 0.0), axis=1, keepdims=True)
        cy = jnp.sum(jnp.where(sel, y, 0.0), axis=1, keepdims=True)
        cz = jnp.sum(jnp.where(sel, z, 0.0), axis=1, keepdims=True)
        out_sel = lane_s == i
        cxs = jnp.where(out_sel, cx, cxs)
        cys = jnp.where(out_sel, cy, cys)
        czs = jnp.where(out_sel, cz, czs)
        dx = x - cx
        dy = y - cy
        dz = z - cz
        d = dx * dx + dy * dy + dz * dz
        dists = jnp.minimum(dists, d)
        m = jnp.max(dists, axis=1, keepdims=True)
        far = jnp.min(jnp.where(dists == m, lane, N), axis=1, keepdims=True)
        return dists, far, cxs, cys, czs

    dists0 = jnp.full((B, N), 1e10, jnp.float32)
    far0 = jnp.zeros((B, 1), jnp.int32)
    zero_s = jnp.zeros((B, S), jnp.float32)
    _, _, cxs, cys, czs = lax.fori_loop(
        0, S, body, (dists0, far0, zero_s, zero_s, zero_s))
    cx_ref[...] = cxs
    cy_ref[...] = cys
    cz_ref[...] = czs


def _fps_call(xs, ys, zs):
    out = [jax.ShapeDtypeStruct((B, S), jnp.float32)] * 3
    return pl.pallas_call(
        _fps_kernel,
        out_shape=out,
    )(xs, ys, zs)



ST = 256


def _extract(cand, first, out_ref, base):
    m = first
    for k in range(1, K):
        m = jnp.min(jnp.where(cand > m, cand, N), axis=0, keepdims=True)
        out_ref[0, k:k + 1, :] = jnp.where(m == N, first, m) + base


def _ball_kernel(pxc_ref, pyc_ref, pzc_ref, cx_ref, cy_ref, cz_ref, out_ref):
    b = pl.program_id(0)
    blane = lax.broadcasted_iota(jnp.int32, (N, B), 1) == b
    px = jnp.sum(jnp.where(blane, pxc_ref[...], 0.0), axis=1, keepdims=True)
    py = jnp.sum(jnp.where(blane, pyc_ref[...], 0.0), axis=1, keepdims=True)
    pz = jnp.sum(jnp.where(blane, pzc_ref[...], 0.0), axis=1, keepdims=True)
    cx = cx_ref[0]
    cy = cy_ref[0]
    cz = cz_ref[0]
    dx = px - cx
    dy = py - cy
    dz = pz - cz
    d = dx * dx + dy * dy + dz * dz
    mask = d <= R2
    sub = lax.broadcasted_iota(jnp.int32, (N, ST), 0)
    cand = jnp.where(mask, sub, N)
    first = jnp.minimum(jnp.min(cand, axis=0, keepdims=True), N - 1)
    base = b * N
    out_ref[0, 0:1, :] = first + base
    _extract(cand, first, out_ref, base)


def _ball_call(pxc, pyc, pzc, cxp, cyp, czp):
    grid = (B, S // ST)
    pt_spec = pl.BlockSpec((N, B), lambda b, st: (0, 0))
    c_spec = pl.BlockSpec((1, 1, ST), lambda b, st: (b, 0, st))
    out_spec = pl.BlockSpec((1, K, ST), lambda b, st: (b, 0, st))
    return pl.pallas_call(
        _ball_kernel,
        grid=grid,
        in_specs=[pt_spec, pt_spec, pt_spec, c_spec, c_spec, c_spec],
        out_specs=out_spec,
        out_shape=jax.ShapeDtypeStruct((B, K, S), jnp.int32),
    )(pxc, pyc, pzc, cxp, cyp, czp)



_ROWS = B * K * S
_CHUNK = 128
_D = 128


@functools.cache
def _make_gather_sc():
    info = plsc.get_sparse_core_info()
    nc, ns = info.num_cores, info.num_subcores
    rows_per_w = _ROWS // (nc * ns)

    @functools.partial(
        pl.kernel,
        mesh=plsc.VectorSubcoreMesh(core_axis_name="c", subcore_axis_name="s"),
        out_type=jax.ShapeDtypeStruct((_ROWS, _D), jnp.float32),
        scratch_types=[
            pltpu.VMEM((2 * _CHUNK,), jnp.int32),
            pltpu.VMEM((2 * _CHUNK, _D), jnp.float32),
            pltpu.SemaphoreType.DMA,
            pltpu.SemaphoreType.DMA,
        ],
    )
    def gather_sc(table_hbm, idx_hbm, out_hbm, idx_v, rows_v, sem_a, sem_b):
        wid = lax.axis_index("s") * nc + lax.axis_index("c")
        base = wid * rows_per_w

        def body(j, carry):
            off = base + j * 2 * _CHUNK
            pltpu.sync_copy(idx_hbm.at[pl.dslice(off, 2 * _CHUNK)], idx_v)
            ca = pltpu.async_copy(
                table_hbm.at[idx_v.at[pl.dslice(0, _CHUNK)]],
                rows_v.at[pl.dslice(0, _CHUNK)], sem_a)
            cb = pltpu.async_copy(
                table_hbm.at[idx_v.at[pl.dslice(_CHUNK, _CHUNK)]],
                rows_v.at[pl.dslice(_CHUNK, _CHUNK)], sem_b)
            ca.wait()
            cb.wait()
            pltpu.sync_copy(rows_v, out_hbm.at[pl.dslice(off, 2 * _CHUNK)])
            return carry

        lax.fori_loop(0, rows_per_w // (2 * _CHUNK), body, 0)

    return gather_sc


def _gather(table, flat_idx):
    return _make_gather_sc()(table, flat_idx)



def _accum_stats(stats_ref, h, is_first):
    s = jnp.sum(h, axis=0, keepdims=True)
    ss = jnp.sum(h * h, axis=0, keepdims=True)

    @pl.when(is_first)
    def _():
        stats_ref[...] = jnp.zeros_like(stats_ref)

    stats_ref[0:1, :] += s
    stats_ref[1:2, :] += ss


KB = 8


def _passA_kernel(g_ref, cmat_ref, w0_ref, stats_ref, xc_ref):
    b = pl.program_id(0)
    k = pl.program_id(1)
    x = g_ref[0][:, :, :32] - cmat_ref[...]
    xc_ref[0] = x
    h0 = jnp.dot(x.reshape(KB * S, 32), w0_ref[...],
                 preferred_element_type=jnp.float32)
    _accum_stats(stats_ref, h0, jnp.logical_and(b == 0, k == 0))


def _chain01(xc_ref, w0_ref, coef0_ref):
    h0 = jnp.dot(xc_ref[0].reshape(KB * S, 32), w0_ref[...],
                 preferred_element_type=jnp.float32)
    return jnp.maximum(h0 * coef0_ref[0:1, :] + coef0_ref[1:2, :], 0.0)


def _passB_kernel(xc_ref, w0_ref, coef0_ref, w1_ref, stats_ref):
    b = pl.program_id(0)
    k = pl.program_id(1)
    g0 = _chain01(xc_ref, w0_ref, coef0_ref)
    h1 = jnp.dot(g0, w1_ref[...], preferred_element_type=jnp.float32)
    _accum_stats(stats_ref, h1, jnp.logical_and(b == 0, k == 0))


def _passC_kernel(xc_ref, w0_ref, coef0_ref, w1_ref, coef1_ref, w2_ref,
                  stats_ref):
    b = pl.program_id(0)
    k = pl.program_id(1)
    g0 = _chain01(xc_ref, w0_ref, coef0_ref)
    h1 = jnp.dot(g0, w1_ref[...], preferred_element_type=jnp.float32)
    g1 = jnp.maximum(h1 * coef1_ref[0:1, :] + coef1_ref[1:2, :], 0.0)
    h2 = jnp.dot(g1, w2_ref[...], preferred_element_type=jnp.float32)
    _accum_stats(stats_ref, h2, jnp.logical_and(b == 0, k == 0))


def _passD_kernel(xc_ref, w0_ref, coef0_ref, w1_ref, coef1_ref, w2_ref,
                  coef2_ref, out_ref):
    k = pl.program_id(1)
    g0 = _chain01(xc_ref, w0_ref, coef0_ref)
    h1 = jnp.dot(g0, w1_ref[...], preferred_element_type=jnp.float32)
    g1 = jnp.maximum(h1 * coef1_ref[0:1, :] + coef1_ref[1:2, :], 0.0)
    h2 = jnp.dot(g1, w2_ref[...], preferred_element_type=jnp.float32)
    g2 = jnp.maximum(h2 * coef2_ref[0:1, :] + coef2_ref[1:2, :], 0.0)

    g2m = jnp.max(g2.reshape(KB, S, 64), axis=0)

    @pl.when(k == 0)
    def _():
        out_ref[0] = g2m

    @pl.when(k != 0)
    def _():
        out_ref[0] = jnp.maximum(out_ref[0], g2m)


def _small_spec(shape):
    return pl.BlockSpec(shape, lambda b, k: tuple(0 for _ in shape))


_G_SPEC = pl.BlockSpec((1, KB, S, _D), lambda b, k: (b, k, 0, 0))
_XC_SPEC = pl.BlockSpec((1, KB, S, 32), lambda b, k: (b, k, 0, 0))
_CMAT_SPEC = pl.BlockSpec((1, S, 32), lambda b, k: (b, 0, 0))


def _run_pass(body, n_out_ch, xc, *smalls):
    specs = [_XC_SPEC] + [_small_spec(s.shape) for s in smalls]
    return pl.pallas_call(
        body,
        grid=(B, K // KB),
        in_specs=specs,
        out_specs=_small_spec((8, n_out_ch)),
        out_shape=jax.ShapeDtypeStruct((8, n_out_ch), jnp.float32),
    )(xc, *smalls)


def _bn_coef(stats, gamma, beta):
    mean = stats[0] / NT
    var = stats[1] / NT - mean * mean
    a = gamma * lax.rsqrt(var + 1e-5)
    c = beta - mean * a
    return jnp.stack([a, c], axis=0)



def kernel(points_xyz, features, conv0_w, conv0_b, bn0_g, bn0_b,
           conv1_w, conv1_b, bn1_g, bn1_b, conv2_w, conv2_b, bn2_g, bn2_b):
    del conv0_b, conv1_b, conv2_b
    xs = points_xyz[:, :, 0]
    ys = points_xyz[:, :, 1]
    zs = points_xyz[:, :, 2]

    cx, cy, cz = _fps_call(xs, ys, zs)

    gidx = _ball_call(
        xs.transpose(1, 0), ys.transpose(1, 0), zs.transpose(1, 0),
        cx.reshape(B, 1, S), cy.reshape(B, 1, S), cz.reshape(B, 1, S))

    table = jnp.concatenate(
        [points_xyz, features,
         jnp.zeros((B, N, _D - 3 - C_IN), jnp.float32)], axis=-1)
    table = table.reshape(B * N, _D)
    grouped = _gather(table, gidx.reshape(_ROWS))
    grouped = grouped.reshape(B, K, S, _D)

    cmat = jnp.concatenate(
        [cx[..., None], cy[..., None], cz[..., None],
         jnp.zeros((B, S, 32 - 3), jnp.float32)], axis=-1)

    w0 = jnp.zeros((32, 32), jnp.float32).at[:3 + C_IN].set(conv0_w.T)
    w1 = conv1_w.T
    w2 = conv2_w.T

    stats0, xc = pl.pallas_call(
        _passA_kernel,
        grid=(B, K // KB),
        in_specs=[_G_SPEC, _CMAT_SPEC, _small_spec((32, 32))],
        out_specs=[_small_spec((8, 32)), _XC_SPEC],
        out_shape=[jax.ShapeDtypeStruct((8, 32), jnp.float32),
                   jax.ShapeDtypeStruct((B, K, S, 32), jnp.float32)],
    )(grouped, cmat, w0)
    coef0 = _bn_coef(stats0, bn0_g, bn0_b)
    stats1 = _run_pass(_passB_kernel, 32, xc, w0, coef0, w1)
    coef1 = _bn_coef(stats1, bn1_g, bn1_b)
    stats2 = _run_pass(_passC_kernel, 64, xc, w0, coef0, w1, coef1, w2)
    coef2 = _bn_coef(stats2, bn2_g, bn2_b)

    out_spec = pl.BlockSpec((1, S, 64), lambda b, k: (b, 0, 0))
    g = pl.pallas_call(
        _passD_kernel,
        grid=(B, K // KB),
        in_specs=[_XC_SPEC, _small_spec((32, 32)), _small_spec((2, 32)),
                  _small_spec((32, 32)), _small_spec((2, 32)),
                  _small_spec((32, 64)), _small_spec((2, 64))],
        out_specs=out_spec,
        out_shape=jax.ShapeDtypeStruct((B, S, 64), jnp.float32),
    )(xc, w0, coef0, w1, coef1, w2, coef2)

    centroids = jnp.stack([cx, cy, cz], axis=-1)
    return centroids, g

# --- scband reference (transcript-rebuilt; emitter-appended) ---
"""Pipeline reference for scband-point-net2-set-abstraction-ssg-8246337208756 (READ-ONLY COPY).

The authoritative reference and input builder live on the scoring server;
editing this copy changes nothing except your own understanding.
"""

import jax, jax.numpy as jnp
import numpy as np

N_SAMPLES = 1024
RADIUS = 0.2
K_GROUP = 32


def furthest_point_sampling(xyz, n_samples):
    B, N, _ = xyz.shape

    def body(i, state):
        dists, idxs, farthest = state
        idxs = idxs.at[:, i].set(farthest)
        centroid = xyz[jnp.arange(B), farthest][:, None, :]
        d = jnp.sum((xyz - centroid) ** 2, axis=-1)
        dists = jnp.minimum(dists, d)
        farthest = jnp.argmax(dists, axis=-1).astype(jnp.int32)
        return dists, idxs, farthest

    dists = jnp.full((B, N), 1e10, dtype=xyz.dtype)
    idxs = jnp.zeros((B, n_samples), dtype=jnp.int32)
    farthest = jnp.zeros((B,), dtype=jnp.int32)
    _, idxs, _ = jax.lax.fori_loop(0, n_samples, body, (dists, idxs, farthest))
    return idxs


def ball_query(xyz, centroids, radius, K):
    B, N, _ = xyz.shape
    S = centroids.shape[1]
    sqr = jnp.sum((centroids[:, :, None, :] - xyz[:, None, :, :]) ** 2, axis=-1)
    gi = jnp.broadcast_to(jnp.arange(N, dtype=jnp.int32), (B, S, N))
    gi = jnp.where(sqr > radius * radius, N, gi)
    gi = jnp.sort(gi, axis=-1)[:, :, :K]
    first = jnp.broadcast_to(gi[:, :, :1], gi.shape)
    gi = jnp.where(gi == N, first, gi)
    return gi


def batch_indexing(x, idx):
    B = x.shape[0]
    if idx.ndim == 2:
        return x[jnp.arange(B)[:, None], idx]
    return x[jnp.arange(B)[:, None, None], idx]


def setup_inputs(seed: int = 0):
    key = jax.random.key(seed)
    ks = jax.random.split(key, 20)
    B, N, C = 8, 4096, 16
    inp = {
        'points_xyz': jax.random.uniform(ks[0], (B, N, 3), dtype=jnp.float32),
        'features': jax.random.normal(ks[1], (B, N, C), dtype=jnp.float32),
    }
    chans = [19, 32, 32, 64]
    for i in range(3):
        cin, cout = chans[i], chans[i + 1]
        inp['conv%d_w' % i] = jax.random.normal(ks[2 + 4 * i], (cout, cin), dtype=jnp.float32) * (1.0 / np.sqrt(cin))
        inp['conv%d_b' % i] = jnp.zeros((cout,), dtype=jnp.float32)
        inp['bn%d_g' % i] = jnp.ones((cout,), dtype=jnp.float32)
        inp['bn%d_b' % i] = jnp.zeros((cout,), dtype=jnp.float32)
    return inp


def _forward(points_xyz, features, params, centroid_idx, grouped_idx):
    centroids = batch_indexing(points_xyz, centroid_idx)
    grouped_xyz = batch_indexing(points_xyz, grouped_idx)
    grouped_feat = batch_indexing(features, grouped_idx)
    gxyz_norm = grouped_xyz - centroids[:, :, None, :]
    g = jnp.concatenate([gxyz_norm, grouped_feat], axis=-1)
    g = jnp.transpose(g, (0, 3, 2, 1))
    for i in range(3):
        w, b, gma, bta = params[4 * i:4 * i + 4]
        g = jnp.einsum('oi,biks->boks', w, g) + b[None, :, None, None]
        mean = jnp.mean(g, axis=(0, 2, 3), keepdims=True)
        var = jnp.var(g, axis=(0, 2, 3), keepdims=True)
        g = (g - mean) / jnp.sqrt(var + 1e-5)
        g = g * gma[None, :, None, None] + bta[None, :, None, None]
        g = jax.nn.relu(g)
    g = jnp.max(g, axis=2)
    g = jnp.transpose(g, (0, 2, 1))
    return centroids, g


def reference(points_xyz, features, conv0_w, conv0_b, bn0_g, bn0_b, conv1_w, conv1_b, bn1_g, bn1_b, conv2_w, conv2_b, bn2_g, bn2_b):
    xyz_sg = jax.lax.stop_gradient(points_xyz)
    cidx = furthest_point_sampling(xyz_sg, N_SAMPLES)
    centroids_sg = batch_indexing(xyz_sg, cidx)
    gidx = ball_query(xyz_sg, centroids_sg, RADIUS, K_GROUP)
    params = [conv0_w, conv0_b, bn0_g, bn0_b, conv1_w, conv1_b, bn1_g, bn1_b, conv2_w, conv2_b, bn2_g, bn2_b]
    return _forward(points_xyz, features, params, cidx, gidx)

if __name__ == "__main__":
    import jax
    _d = setup_inputs()
    print(jax.jit(kernel)(*tuple(_d.values())))

</pallas_src>

<mosaic_0001>
#map = affine_map<(d0, d1) -> (0, 0)>
#map1 = affine_map<(d0, d1) -> (0)>
module attributes {stable_mosaic.version = 14 : i64} {
  func.func @gather_sc(%arg0: i32, %arg1: i32, %arg2: memref<32768x128xf32, #tpu.memory_space<hbm>>, %arg3: memref<262144xi32, #tpu.memory_space<hbm>>, %arg4: memref<262144x128xf32, #tpu.memory_space<hbm>>, %arg5: memref<256xi32, #tpu.memory_space<vmem>>, %arg6: memref<256x128xf32, #tpu.memory_space<vmem>>, %arg7: memref<!tpu.dma_semaphore, #tpu.memory_space<semaphore_mem>>, %arg8: memref<!tpu.dma_semaphore, #tpu.memory_space<semaphore_mem>>) attributes {dimension_semantics = [#tpu.dimension_semantics<core_parallel>, #tpu.dimension_semantics<subcore_parallel>], iteration_bounds = array<i64: 2, 16>, scalar_prefetch = 0 : i64, scratch_operands = 4 : i64, tpu.core_type = #tpu.core_type<sc_vector_subcore>, window_params = [{transform_indices = #map}, {transform_indices = #map1}, {transform_indices = #map}]} {
    %mul3A = arith.constant 2 : i32
    %mul3A_0 = arith.muli %arg1, %mul3A : i32
    %add3A = arith.addi %mul3A_0, %arg0 : i32
    %mul3A_1 = arith.constant 8192 : i32
    %mul3A_2 = arith.muli %add3A, %mul3A_1 : i32
    %scan3A = arith.constant 0 : i32
    %scan3A_3 = arith.constant 0 : i32
    %scan3A_4 = arith.constant 32 : i32
    %scan3A_5 = arith.addi %scan3A_3, %scan3A_4 : i32
    %scan3A_6 = arith.constant 1 : i32
    scf.for %scan3A_8 = %scan3A_3 to %scan3A_5 step %scan3A_6  : i32 {
      %mul3A_9 = arith.constant 2 : i32
      %mul3A_10 = arith.muli %scan3A_8, %mul3A_9 : i32
      %mul3A_11 = arith.constant 128 : i32
      %mul3A_12 = arith.muli %mul3A_10, %mul3A_11 : i32
      %add3A_13 = arith.addi %mul3A_2, %mul3A_12 : i32
      "tpu.region"() ({
        %run_scoped3A = tpu.sem_alloc : memref<!tpu.dma_semaphore, #tpu.memory_space<semaphore_mem>>
        %dma_start3A_44 = tpu.memref_slice %arg3[%add3A_13] : memref<262144xi32, #tpu.memory_space<hbm>> -> memref<256xi32, #tpu.memory_space<hbm>>
        %dma_start3A_45 = tpu.memref_slice %arg3[%add3A_13] : memref<262144xi32, #tpu.memory_space<hbm>> -> memref<256xi32, #tpu.memory_space<hbm>>
        tpu.enqueue_dma source(%dma_start3A_45 : memref<256xi32, #tpu.memory_space<hbm>>) target(%arg5 : memref<256xi32, #tpu.memory_space<vmem>>) target_semaphore(%run_scoped3A : memref<!tpu.dma_semaphore, #tpu.memory_space<semaphore_mem>>)
        %dma_wait3A_46 = tpu.memref_slice %arg3[%add3A_13] : memref<262144xi32, #tpu.memory_space<hbm>> -> memref<256xi32, #tpu.memory_space<hbm>>
        %dma_wait3A_47 = tpu.memref_slice %arg3[%add3A_13] : memref<262144xi32, #tpu.memory_space<hbm>> -> memref<256xi32, #tpu.memory_space<hbm>>
        tpu.wait_dma2 semaphore(%run_scoped3A : memref<!tpu.dma_semaphore, #tpu.memory_space<semaphore_mem>>) src(%dma_wait3A_47 : memref<256xi32, #tpu.memory_space<hbm>>) dst(%arg5 : memref<256xi32, #tpu.memory_space<vmem>>)
        tpu.yield
      }) : () -> ()
      %dma_start3A = arith.constant 0 : i32
      %dma_start3A_14 = arith.constant 0 : i32
      %dma_start3A_15 = tpu.memref_slice %arg6[%dma_start3A, %dma_start3A_14] : memref<256x128xf32, #tpu.memory_space<vmem>> -> memref<128x128xf32, #tpu.memory_space<vmem>>
      %dma_start3A_16 = arith.constant 0 : i32
      %dma_start3A_17 = tpu.memref_slice %arg5[%dma_start3A_16] : memref<256xi32, #tpu.memory_space<vmem>> -> memref<128xi32, #tpu.memory_space<vmem>>
      %dma_start3A_18 = arith.constant 0 : i32
      %dma_start3A_19 = arith.constant 0 : i32
      %dma_start3A_20 = tpu.memref_slice %arg2[%dma_start3A_18, %dma_start3A_19] : memref<32768x128xf32, #tpu.memory_space<hbm>> -> memref<32768x128xf32, #tpu.memory_space<hbm>>
      tpu.enqueue_indirect_dma source(%dma_start3A_20 : memref<32768x128xf32, #tpu.memory_space<hbm>>) target(%dma_start3A_15 : memref<128x128xf32, #tpu.memory_space<vmem>>) offsets(%dma_start3A_17 : memref<128xi32, #tpu.memory_space<vmem>>) semaphore(%arg7 : memref<!tpu.dma_semaphore, #tpu.memory_space<semaphore_mem>>)
      %dma_start3A_21 = arith.constant 128 : i32
      %dma_start3A_22 = arith.constant 0 : i32
      %dma_start3A_23 = tpu.memref_slice %arg6[%dma_start3A_21, %dma_start3A_22] : memref<256x128xf32, #tpu.memory_space<vmem>> -> memref<128x128xf32, #tpu.memory_space<vmem>>
      %dma_start3A_24 = arith.constant 128 : i32
      %dma_start3A_25 = tpu.memref_slice %arg5[%dma_start3A_24] : memref<256xi32, #tpu.memory_space<vmem>> -> memref<128xi32, #tpu.memory_space<vmem>>
      %dma_start3A_26 = arith.constant 0 : i32
      %dma_start3A_27 = arith.constant 0 : i32
      %dma_start3A_28 = tpu.memref_slice %arg2[%dma_start3A_26, %dma_start3A_27] : memref<32768x128xf32, #tpu.memory_space<hbm>> -> memref<32768x128xf32, #tpu.memory_space<hbm>>
      tpu.enqueue_indirect_dma source(%dma_start3A_28 : memref<32768x128xf32, #tpu.memory_space<hbm>>) target(%dma_start3A_23 : memref<128x128xf32, #tpu.memory_space<vmem>>) offsets(%dma_start3A_25 : memref<128xi32, #tpu.memory_space<vmem>>) semaphore(%arg8 : memref<!tpu.dma_semaphore, #tpu.memory_space<semaphore_mem>>)
      %dma_wait3A = arith.constant 0 : i32
      %dma_wait3A_29 = arith.constant 0 : i32
      %dma_wait3A_30 = tpu.memref_slice %arg6[%dma_wait3A, %dma_wait3A_29] : memref<256x128xf32, #tpu.memory_space<vmem>> -> memref<128x128xf32, #tpu.memory_space<vmem>>
      %dma_wait3A_31 = arith.constant 0 : i32
      %dma_wait3A_32 = tpu.memref_slice %arg5[%dma_wait3A_31] : memref<256xi32, #tpu.memory_space<vmem>> -> memref<128xi32, #tpu.memory_space<vmem>>
      %dma_wait3A_33 = arith.constant 0 : i32
      %dma_wait3A_34 = arith.constant 0 : i32
      %dma_wait3A_35 = tpu.memref_slice %arg2[%dma_wait3A_33, %dma_wait3A_34] : memref<32768x128xf32, #tpu.memory_space<hbm>> -> memref<32768x128xf32, #tpu.memory_space<hbm>>
      tpu.wait_indirect_dma semaphore(%arg7 : memref<!tpu.dma_semaphore, #tpu.memory_space<semaphore_mem>>) src(%dma_wait3A_35 : memref<32768x128xf32, #tpu.memory_space<hbm>>) dst(%dma_wait3A_30 : memref<128x128xf32, #tpu.memory_space<vmem>>)
      %dma_wait3A_36 = arith.constant 128 : i32
      %dma_wait3A_37 = arith.constant 0 : i32
      %dma_wait3A_38 = tpu.memref_slice %arg6[%dma_wait3A_36, %dma_wait3A_37] : memref<256x128xf32, #tpu.memory_space<vmem>> -> memref<128x128xf32, #tpu.memory_space<vmem>>
      %dma_wait3A_39 = arith.constant 128 : i32
      %dma_wait3A_40 = tpu.memref_slice %arg5[%dma_wait3A_39] : memref<256xi32, #tpu.memory_space<vmem>> -> memref<128xi32, #tpu.memory_space<vmem>>
      %dma_wait3A_41 = arith.constant 0 : i32
      %dma_wait3A_42 = arith.constant 0 : i32
      %dma_wait3A_43 = tpu.memref_slice %arg2[%dma_wait3A_41, %dma_wait3A_42] : memref<32768x128xf32, #tpu.memory_space<hbm>> -> memref<32768x128xf32, #tpu.memory_space<hbm>>
      tpu.wait_indirect_dma semaphore(%arg8 : memref<!tpu.dma_semaphore, #tpu.memory_space<semaphore_mem>>) src(%dma_wait3A_43 : memref<32768x128xf32, #tpu.memory_space<hbm>>) dst(%dma_wait3A_38 : memref<128x128xf32, #tpu.memory_space<vmem>>)
      "tpu.region"() ({
        %run_scoped3A = tpu.sem_alloc : memref<!tpu.dma_semaphore, #tpu.memory_space<semaphore_mem>>
        %dma_start3A_44 = arith.constant 0 : i32
        %dma_start3A_45 = tpu.memref_slice %arg4[%add3A_13, %dma_start3A_44] : memref<262144x128xf32, #tpu.memory_space<hbm>> -> memref<256x128xf32, #tpu.memory_space<hbm>>
        %dma_start3A_46 = arith.constant 0 : i32
        %dma_start3A_47 = tpu.memref_slice %arg4[%add3A_13, %dma_start3A_46] : memref<262144x128xf32, #tpu.memory_space<hbm>> -> memref<256x128xf32, #tpu.memory_space<hbm>>
        tpu.enqueue_dma source(%arg6 : memref<256x128xf32, #tpu.memory_space<vmem>>) target(%dma_start3A_47 : memref<256x128xf32, #tpu.memory_space<hbm>>) target_semaphore(%run_scoped3A : memref<!tpu.dma_semaphore, #tpu.memory_space<semaphore_mem>>)
        %dma_wait3A_48 = arith.constant 0 : i32
        %dma_wait3A_49 = tpu.memref_slice %arg4[%add3A_13, %dma_wait3A_48] : memref<262144x128xf32, #tpu.memory_space<hbm>> -> memref<256x128xf32, #tpu.memory_space<hbm>>
        %dma_wait3A_50 = arith.constant 0 : i32
        %dma_wait3A_51 = tpu.memref_slice %arg4[%add3A_13, %dma_wait3A_50] : memref<262144x128xf32, #tpu.memory_space<hbm>> -> memref<256x128xf32, #tpu.memory_space<hbm>>
        tpu.wait_dma2 semaphore(%run_scoped3A : memref<!tpu.dma_semaphore, #tpu.memory_space<semaphore_mem>>) src(%arg6 : memref<256x128xf32, #tpu.memory_space<vmem>>) dst(%dma_wait3A_51 : memref<256x128xf32, #tpu.memory_space<hbm>>)
        tpu.yield
      }) : () -> ()
    }
    %scan3A_7 = arith.constant 32 : i32
    return
  }
}

module attributes {stable_mosaic.version = 14 : i64} {
  func.func @_fps_kernel(%arg0: memref<8x4096xf32, #tpu.memory_space<vmem>>, %arg1: memref<8x4096xf32, #tpu.memory_space<vmem>>, %arg2: memref<8x4096xf32, #tpu.memory_space<vmem>>, %arg3: memref<8x1024xf32, #tpu.memory_space<vmem>>, %arg4: memref<8x1024xf32, #tpu.memory_space<vmem>>, %arg5: memref<8x1024xf32, #tpu.memory_space<vmem>>) attributes {dimension_semantics = [], scalar_prefetch = 0 : i64, scratch_operands = 0 : i64, tpu.core_type = #tpu.core_type<tc>} {
    %get3A = arith.constant 0 : index
    %get3A_0 = arith.constant 0 : index
    %get3A_1 = vector.load %arg0[%get3A, %get3A_0] : memref<8x4096xf32, #tpu.memory_space<vmem>>, vector<8x4096xf32>
    %get3A_2 = arith.constant 0 : index
    %get3A_3 = arith.constant 0 : index
    %get3A_4 = vector.load %arg1[%get3A_2, %get3A_3] : memref<8x4096xf32, #tpu.memory_space<vmem>>, vector<8x4096xf32>
    %get3A_5 = arith.constant 0 : index
    %get3A_6 = arith.constant 0 : index
    %get3A_7 = vector.load %arg2[%get3A_5, %get3A_6] : memref<8x4096xf32, #tpu.memory_space<vmem>>, vector<8x4096xf32>
    %iota3A = tpu.iota {dimensions = array<i32: 1>} : vector<8x4096xi32>
    %iota3A_8 = tpu.iota {dimensions = array<i32: 1>} : vector<8x1024xi32>
    %broadcast_in_dim3A = arith.constant 1.000000e+10 : f32
    %broadcast_in_dim3A_9 = vector.broadcast %broadcast_in_dim3A : f32 to vector<8x4096xf32>
    %broadcast_in_dim3A_10 = arith.constant 0 : i32
    %broadcast_in_dim3A_11 = vector.broadcast %broadcast_in_dim3A_10 : i32 to vector<8x1xi32>
    %broadcast_in_dim3A_12 = arith.constant 0.000000e+00 : f32
    %broadcast_in_dim3A_13 = vector.broadcast %broadcast_in_dim3A_12 : f32 to vector<8x1024xf32>
    %scan3A = arith.constant 0 : i32
    %scan3A_14 = arith.constant 1024 : i32
    %scan3A_15 = arith.addi %scan3A, %scan3A_14 : i32
    %scan3A_16 = arith.constant 1 : i32
    %scan3A_17:5 = scf.for %scan3A_27 = %scan3A to %scan3A_15 step %scan3A_16 iter_args(%scan3A_28 = %broadcast_in_dim3A_9, %scan3A_29 = %broadcast_in_dim3A_11, %scan3A_30 = %broadcast_in_dim3A_13, %scan3A_31 = %broadcast_in_dim3A_13, %scan3A_32 = %broadcast_in_dim3A_13) -> (vector<8x4096xf32>, vector<8x1xi32>, vector<8x1024xf32>, vector<8x1024xf32>, vector<8x1024xf32>)  : i32 {
      %eq3A = vector.broadcast %scan3A_29 : vector<8x1xi32> to vector<8x4096xi32>
      %eq3A_33 = arith.cmpi eq, %iota3A, %eq3A : vector<8x4096xi32>
      %jit3A = arith.constant 0.000000e+00 : f32
      %broadcast_in_dim3A_34 = vector.broadcast %jit3A : f32 to vector<8x4096xf32>
      %select_n3A = arith.select %eq3A_33, %get3A_1, %broadcast_in_dim3A_34 : vector<8x4096xi1>, vector<8x4096xf32>
      %reduce_sum3A = arith.constant dense<0.000000e+00> : vector<8xf32>
      %reduce_sum3A_35 = vector.multi_reduction <add>, %select_n3A, %reduce_sum3A [1] : vector<8x4096xf32> to vector<8xf32>
      %broadcast_in_dim3A_36 = vector.shape_cast %reduce_sum3A_35 : vector<8xf32> to vector<8x1xf32>
      %jit3A_37 = arith.constant 0.000000e+00 : f32
      %broadcast_in_dim3A_38 = vector.broadcast %jit3A_37 : f32 to vector<8x4096xf32>
      %select_n3A_39 = arith.select %eq3A_33, %get3A_4, %broadcast_in_dim3A_38 : vector<8x4096xi1>, vector<8x4096xf32>
      %reduce_sum3A_40 = arith.constant dense<0.000000e+00> : vector<8xf32>
      %reduce_sum3A_41 = vector.multi_reduction <add>, %select_n3A_39, %reduce_sum3A_40 [1] : vector<8x4096xf32> to vector<8xf32>
      %broadcast_in_dim3A_42 = vector.shape_cast %reduce_sum3A_41 : vector<8xf32> to vector<8x1xf32>
      %jit3A_43 = arith.constant 0.000000e+00 : f32
      %broadcast_in_dim3A_44 = vector.broadcast %jit3A_43 : f32 to vector<8x4096xf32>
      %select_n3A_45 = arith.select %eq3A_33, %get3A_7, %broadcast_in_dim3A_44 : vector<8x4096xi1>, vector<8x4096xf32>
      %reduce_sum3A_46 = arith.constant dense<0.000000e+00> : vector<8xf32>
      %reduce_sum3A_47 = vector.multi_reduction <add>, %select_n3A_45, %reduce_sum3A_46 [1] : vector<8x4096xf32> to vector<8xf32>
      %broadcast_in_dim3A_48 = vector.shape_cast %reduce_sum3A_47 : vector<8xf32> to vector<8x1xf32>
      %eq3A_49 = vector.broadcast %scan3A_27 : i32 to vector<8x1024xi32>
      %eq3A_50 = arith.cmpi eq, %iota3A_8, %eq3A_49 : vector<8x1024xi32>
      %broadcast_in_dim3A_51 = vector.shape_cast %broadcast_in_dim3A_36 : vector<8x1xf32> to vector<8x1xf32>
      %broadcast_in_dim3A_52 = vector.broadcast %broadcast_in_dim3A_51 : vector<8x1xf32> to vector<8x1024xf32>
      %select_n3A_53 = arith.select %eq3A_50, %broadcast_in_dim3A_52, %scan3A_30 : vector<8x1024xi1>, vector<8x1024xf32>
      %broadcast_in_dim3A_54 = vector.shape_cast %broadcast_in_dim3A_42 : vector<8x1xf32> to vector<8x1xf32>
      %broadcast_in_dim3A_55 = vector.broadcast %broadcast_in_dim3A_54 : vector<8x1xf32> to vector<8x1024xf32>
      %select_n3A_56 = arith.select %eq3A_50, %broadcast_in_dim3A_55, %scan3A_31 : vector<8x1024xi1>, vector<8x1024xf32>
      %broadcast_in_dim3A_57 = vector.shape_cast %broadcast_in_dim3A_48 : vector<8x1xf32> to vector<8x1xf32>
      %broadcast_in_dim3A_58 = vector.broadcast %broadcast_in_dim3A_57 : vector<8x1xf32> to vector<8x1024xf32>
      %select_n3A_59 = arith.select %eq3A_50, %broadcast_in_dim3A_58, %scan3A_32 : vector<8x1024xi1>, vector<8x1024xf32>
      %sub3A = vector.broadcast %broadcast_in_dim3A_36 : vector<8x1xf32> to vector<8x4096xf32>
      %sub3A_60 = arith.subf %get3A_1, %sub3A : vector<8x4096xf32>
      %sub3A_61 = vector.broadcast %broadcast_in_dim3A_42 : vector<8x1xf32> to vector<8x4096xf32>
      %sub3A_62 = arith.subf %get3A_4, %sub3A_61 : vector<8x4096xf32>
      %sub3A_63 = vector.broadcast %broadcast_in_dim3A_48 : vector<8x1xf32> to vector<8x4096xf32>
      %sub3A_64 = arith.subf %get3A_7, %sub3A_63 : vector<8x4096xf32>
      %mul3A = arith.mulf %sub3A_60, %sub3A_60 : vector<8x4096xf32>
      %mul3A_65 = arith.mulf %sub3A_62, %sub3A_62 : vector<8x4096xf32>
      %add3A = arith.addf %mul3A, %mul3A_65 : vector<8x4096xf32>
      %mul3A_66 = arith.mulf %sub3A_64, %sub3A_64 : vector<8x4096xf32>
      %add3A_67 = arith.addf %add3A, %mul3A_66 : vector<8x4096xf32>
      %min3A = arith.minimumf %scan3A_28, %add3A_67 : vector<8x4096xf32>
      %reduce_max3A = arith.constant dense<0xFF800000> : vector<8xf32>
      %reduce_max3A_68 = vector.multi_reduction <maximumf>, %min3A, %reduce_max3A [1] : vector<8x4096xf32> to vector<8xf32>
      %broadcast_in_dim3A_69 = vector.shape_cast %reduce_max3A_68 : vector<8xf32> to vector<8x1xf32>
      %eq3A_70 = vector.broadcast %broadcast_in_dim3A_69 : vector<8x1xf32> to vector<8x4096xf32>
      %eq3A_71 = arith.cmpf oeq, %min3A, %eq3A_70 : vector<8x4096xf32>
      %jit3A_72 = arith.constant 4096 : i32
      %broadcast_in_dim3A_73 = vector.broadcast %jit3A_72 : i32 to vector<8x4096xi32>
      %select_n3A_74 = arith.select %eq3A_71, %iota3A, %broadcast_in_dim3A_73 : vector<8x4096xi1>, vector<8x4096xi32>
      %reduce_min3A = arith.constant dense<2147483647> : vector<8xi32>
      %reduce_min3A_75 = vector.multi_reduction <minsi>, %select_n3A_74, %reduce_min3A [1] : vector<8x4096xi32> to vector<8xi32>
      %broadcast_in_dim3A_76 = vector.shape_cast %reduce_min3A_75 : vector<8xi32> to vector<8x1xi32>
      scf.yield %min3A, %broadcast_in_dim3A_76, %select_n3A_53, %select_n3A_56, %select_n3A_59 : vector<8x4096xf32>, vector<8x1xi32>, vector<8x1024xf32>, vector<8x1024xf32>, vector<8x1024xf32>
    }
    %scan3A_18 = arith.constant 1024 : i32
    %swap3A = arith.constant 0 : index
    %swap3A_19 = arith.constant 0 : index
    %swap3A_20 = vector.load %arg3[%swap3A, %swap3A_19] : memref<8x1024xf32, #tpu.memory_space<vmem>>, vector<8x1024xf32>
    tpu.vector_store %arg3[%swap3A, %swap3A_19], %scan3A_17#2 {strides = array<i32>} : memref<8x1024xf32, #tpu.memory_space<vmem>>, vector<8x1024xf32>,
    %swap3A_21 = arith.constant 0 : index
    %swap3A_22 = arith.constant 0 : index
    %swap3A_23 = vector.load %arg4[%swap3A_21, %swap3A_22] : memref<8x1024xf32, #tpu.memory_space<vmem>>, vector<8x1024xf32>
    tpu.vector_store %arg4[%swap3A_21, %swap3A_22], %scan3A_17#3 {strides = array<i32>} : memref<8x1024xf32, #tpu.memory_space<vmem>>, vector<8x1024xf32>,
    %swap3A_24 = arith.constant 0 : index
    %swap3A_25 = arith.constant 0 : index
    %swap3A_26 = vector.load %arg5[%swap3A_24, %swap3A_25] : memref<8x1024xf32, #tpu.memory_space<vmem>>, vector<8x1024xf32>
    tpu.vector_store %arg5[%swap3A_24, %swap3A_25], %scan3A_17#4 {strides = array<i32>} : memref<8x1024xf32, #tpu.memory_space<vmem>>, vector<8x1024xf32>,
    return
  }
}

module attributes {stable_mosaic.version = 14 : i64} {
  func.func @_ball_kernel(%arg0: i32, %arg1: i32, %arg2: memref<4096x8xf32, #tpu.memory_space<vmem>>, %arg3: memref<4096x8xf32, #tpu.memory_space<vmem>>, %arg4: memref<4096x8xf32, #tpu.memory_space<vmem>>, %arg5: memref<1x1x256xf32, #tpu.memory_space<vmem>>, %arg6: memref<1x1x256xf32, #tpu.memory_space<vmem>>, %arg7: memref<1x1x256xf32, #tpu.memory_space<vmem>>, %arg8: memref<1x32x256xi32, #tpu.memory_space<vmem>>) attributes {dimension_semantics = [#tpu.dimension_semantics<arbitrary>, #tpu.dimension_semantics<arbitrary>], iteration_bounds = array<i64: 8, 4>, scalar_prefetch = 0 : i64, scratch_operands = 0 : i64, tpu.core_type = #tpu.core_type<tc>, window_params = [{pipeline_mode = #tpu.pipeline_mode<synchronous>, transform_indices = @transform_0, window_bounds = array<i64: 4096, 8>}, {pipeline_mode = #tpu.pipeline_mode<synchronous>, transform_indices = @transform_1, window_bounds = array<i64: 4096, 8>}, {pipeline_mode = #tpu.pipeline_mode<synchronous>, transform_indices = @transform_2, window_bounds = array<i64: 4096, 8>}, {transform_indices = @transform_3, window_bounds = array<i64: 1, 1, 256>}, {transform_indices = @transform_4, window_bounds = array<i64: 1, 1, 256>}, {transform_indices = @transform_5, window_bounds = array<i64: 1, 1, 256>}, {transform_indices = @transform_6, window_bounds = array<i64: 1, 32, 256>}]} {
    %iota3A = tpu.iota {dimensions = array<i32: 1>} : vector<4096x8xi32>
    %eq3A = vector.broadcast %arg0 : i32 to vector<4096x8xi32>
    %eq3A_0 = arith.cmpi eq, %iota3A, %eq3A : vector<4096x8xi32>
    %get3A = arith.constant 0 : index
    %get3A_1 = arith.constant 0 : index
    %get3A_2 = vector.load %arg2[%get3A, %get3A_1] : memref<4096x8xf32, #tpu.memory_space<vmem>>, vector<4096x8xf32>
    %jit3A = arith.constant 0.000000e+00 : f32
    %broadcast_in_dim3A = vector.broadcast %jit3A : f32 to vector<4096x8xf32>
    %select_n3A = arith.select %eq3A_0, %get3A_2, %broadcast_in_dim3A : vector<4096x8xi1>, vector<4096x8xf32>
    %reduce_sum3A = arith.constant dense<0.000000e+00> : vector<4096xf32>
    %reduce_sum3A_3 = vector.multi_reduction <add>, %select_n3A, %reduce_sum3A [1] : vector<4096x8xf32> to vector<4096xf32>
    %broadcast_in_dim3A_4 = vector.shape_cast %reduce_sum3A_3 : vector<4096xf32> to vector<4096x1xf32>
    %get3A_5 = arith.constant 0 : index
    %get3A_6 = arith.constant 0 : index
    %get3A_7 = vector.load %arg3[%get3A_5, %get3A_6] : memref<4096x8xf32, #tpu.memory_space<vmem>>, vector<4096x8xf32>
    %jit3A_8 = arith.constant 0.000000e+00 : f32
    %broadcast_in_dim3A_9 = vector.broadcast %jit3A_8 : f32 to vector<4096x8xf32>
    %select_n3A_10 = arith.select %eq3A_0, %get3A_7, %broadcast_in_dim3A_9 : vector<4096x8xi1>, vector<4096x8xf32>
    %reduce_sum3A_11 = arith.constant dense<0.000000e+00> : vector<4096xf32>
    %reduce_sum3A_12 = vector.multi_reduction <add>, %select_n3A_10, %reduce_sum3A_11 [1] : vector<4096x8xf32> to vector<4096xf32>
    %broadcast_in_dim3A_13 = vector.shape_cast %reduce_sum3A_12 : vector<4096xf32> to vector<4096x1xf32>
    %get3A_14 = arith.constant 0 : index
    %get3A_15 = arith.constant 0 : index
    %get3A_16 = vector.load %arg4[%get3A_14, %get3A_15] : memref<4096x8xf32, #tpu.memory_space<vmem>>, vector<4096x8xf32>
    %jit3A_17 = arith.constant 0.000000e+00 : f32
    %broadcast_in_dim3A_18 = vector.broadcast %jit3A_17 : f32 to vector<4096x8xf32>
    %select_n3A_19 = arith.select %eq3A_0, %get3A_16, %broadcast_in_dim3A_18 : vector<4096x8xi1>, vector<4096x8xf32>
    %reduce_sum3A_20 = arith.constant dense<0.000000e+00> : vector<4096xf32>
    %reduce_sum3A_21 = vector.multi_reduction <add>, %select_n3A_19, %reduce_sum3A_20 [1] : vector<4096x8xf32> to vector<4096xf32>
    %broadcast_in_dim3A_22 = vector.shape_cast %reduce_sum3A_21 : vector<4096xf32> to vector<4096x1xf32>
    %get3A_23 = arith.constant 0 : index
    %get3A_24 = arith.constant 0 : index
    %get3A_25 = arith.constant 0 : index
    %get3A_26 = vector.load %arg5[%get3A_23, %get3A_24, %get3A_25] : memref<1x1x256xf32, #tpu.memory_space<vmem>>, vector<1x1x256xf32>
    %get3A_27 = vector.shape_cast %get3A_26 : vector<1x1x256xf32> to vector<1x256xf32>
    %get3A_28 = arith.constant 0 : index
    %get3A_29 = arith.constant 0 : index
    %get3A_30 = arith.constant 0 : index
    %get3A_31 = vector.load %arg6[%get3A_28, %get3A_29, %get3A_30] : memref<1x1x256xf32, #tpu.memory_space<vmem>>, vector<1x1x256xf32>
    %get3A_32 = vector.shape_cast %get3A_31 : vector<1x1x256xf32> to vector<1x256xf32>
    %get3A_33 = arith.constant 0 : index
    %get3A_34 = arith.constant 0 : index
    %get3A_35 = arith.constant 0 : index
    %get3A_36 = vector.load %arg7[%get3A_33, %get3A_34, %get3A_35] : memref<1x1x256xf32, #tpu.memory_space<vmem>>, vector<1x1x256xf32>
    %get3A_37 = vector.shape_cast %get3A_36 : vector<1x1x256xf32> to vector<1x256xf32>
    %sub3A = vector.broadcast %broadcast_in_dim3A_4 : vector<4096x1xf32> to vector<4096x256xf32>
    %sub3A_38 = vector.broadcast %get3A_27 : vector<1x256xf32> to vector<4096x256xf32>
    %sub3A_39 = arith.subf %sub3A, %sub3A_38 : vector<4096x256xf32>
    %sub3A_40 = vector.broadcast %broadcast_in_dim3A_13 : vector<4096x1xf32> to vector<4096x256xf32>
    %sub3A_41 = vector.broadcast %get3A_32 : vector<1x256xf32> to vector<4096x256xf32>
    %sub3A_42 = arith.subf %sub3A_40, %sub3A_41 : vector<4096x256xf32>
    %sub3A_43 = vector.broadcast %broadcast_in_dim3A_22 : vector<4096x1xf32> to vector<4096x256xf32>
    %sub3A_44 = vector.broadcast %get3A_37 : vector<1x256xf32> to vector<4096x256xf32>
    %sub3A_45 = arith.subf %sub3A_43, %sub3A_44 : vector<4096x256xf32>
    %mul3A = arith.mulf %sub3A_39, %sub3A_39 : vector<4096x256xf32>
    %mul3A_46 = arith.mulf %sub3A_42, %sub3A_42 : vector<4096x256xf32>
    %add3A = arith.addf %mul3A, %mul3A_46 : vector<4096x256xf32>
    %mul3A_47 = arith.mulf %sub3A_45, %sub3A_45 : vector<4096x256xf32>
    %add3A_48 = arith.addf %add3A, %mul3A_47 : vector<4096x256xf32>
    %le3A = arith.constant 4.000000e-02 : f32
    %le3A_49 = vector.broadcast %le3A : f32 to vector<4096x256xf32>
    %le3A_50 = arith.cmpf ole, %add3A_48, %le3A_49 : vector<4096x256xf32>
    %iota3A_51 = tpu.iota {dimensions = array<i32: 0>} : vector<4096x256xi32>
    %jit3A_52 = arith.constant 4096 : i32
    %broadcast_in_dim3A_53 = vector.broadcast %jit3A_52 : i32 to vector<4096x256xi32>
    %select_n3A_54 = arith.select %le3A_50, %iota3A_51, %broadcast_in_dim3A_53 : vector<4096x256xi1>, vector<4096x256xi32>
    %reduce_min3A = arith.constant dense<2147483647> : vector<256xi32>
    %reduce_min3A_55 = vector.multi_reduction <minsi>, %select_n3A_54, %reduce_min3A [0] : vector<4096x256xi32> to vector<256xi32>
    %broadcast_in_dim3A_56 = vector.shape_cast %reduce_min3A_55 : vector<256xi32> to vector<1x256xi32>
    %min3A = arith.constant 4095 : i32
    %min3A_57 = vector.broadcast %min3A : i32 to vector<1x256xi32>
    %min3A_58 = arith.minsi %broadcast_in_dim3A_56, %min3A_57 : vector<1x256xi32>
    %mul3A_59 = arith.constant 4096 : i32
    %mul3A_60 = arith.muli %arg0, %mul3A_59 : i32
    %add3A_61 = vector.broadcast %mul3A_60 : i32 to vector<1x256xi32>
    %add3A_62 = arith.addi %min3A_58, %add3A_61 : vector<1x256xi32>
    %swap3A = arith.constant 0 : index
    %swap3A_63 = arith.constant 0 : index
    %swap3A_64 = arith.constant 0 : index
    %swap3A_65 = vector.load %arg8[%swap3A, %swap3A_63, %swap3A_64] : memref<1x32x256xi32, #tpu.memory_space<vmem>>, vector<1x1x256xi32>
    %swap3A_66 = vector.shape_cast %swap3A_65 : vector<1x1x256xi32> to vector<1x256xi32>
    %swap3A_67 = vector.shape_cast %add3A_62 : vector<1x256xi32> to vector<1x1x256xi32>
    tpu.vector_store %arg8[%swap3A, %swap3A_63, %swap3A_64], %swap3A_67 {strides = array<i32>} : memref<1x32x256xi32, #tpu.memory_space<vmem>>, vector<1x1x256xi32>,
    %gt3A = vector.broadcast %min3A_58 : vector<1x256xi32> to vector<4096x256xi32>
    %gt3A_68 = arith.cmpi sgt, %select_n3A_54, %gt3A : vector<4096x256xi32>
    %jit3A_69 = arith.constant 4096 : i32
    %broadcast_in_dim3A_70 = vector.broadcast %jit3A_69 : i32 to vector<4096x256xi32>
    %select_n3A_71 = arith.select %gt3A_68, %select_n3A_54, %broadcast_in_dim3A_70 : vector<4096x256xi1>, vector<4096x256xi32>
    %reduce_min3A_72 = arith.constant dense<2147483647> : vector<256xi32>
    %reduce_min3A_73 = vector.multi_reduction <minsi>, %select_n3A_71, %reduce_min3A_72 [0] : vector<4096x256xi32> to vector<256xi32>
    %broadcast_in_dim3A_74 = vector.shape_cast %reduce_min3A_73 : vector<256xi32> to vector<1x256xi32>
    %eq3A_75 = arith.constant 4096 : i32
    %eq3A_76 = vector.broadcast %eq3A_75 : i32 to vector<1x256xi32>
    %eq3A_77 = arith.cmpi eq, %broadcast_in_dim3A_74, %eq3A_76 : vector<1x256xi32>
    %select_n3A_78 = arith.select %eq3A_77, %min3A_58, %broadcast_in_dim3A_74 : vector<1x256xi1>, vector<1x256xi32>
    %add3A_79 = vector.broadcast %mul3A_60 : i32 to vector<1x256xi32>
    %add3A_80 = arith.addi %select_n3A_78, %add3A_79 : vector<1x256xi32>
    %swap3A_81 = arith.constant 0 : index
    %swap3A_82 = arith.constant 1 : index
    %swap3A_83 = arith.constant 0 : index
    %swap3A_84 = vector.load %arg8[%swap3A_81, %swap3A_82, %swap3A_83] : memref<1x32x256xi32, #tpu.memory_space<vmem>>, vector<1x1x256xi32>
    %swap3A_85 = vector.shape_cast %swap3A_84 : vector<1x1x256xi32> to vector<1x256xi32>
    %swap3A_86 = vector.shape_cast %add3A_80 : vector<1x256xi32> to vector<1x1x256xi32>
    tpu.vector_store %arg8[%swap3A_81, %swap3A_82, %swap3A_83], %swap3A_86 {strides = array<i32>} : memref<1x32x256xi32, #tpu.memory_space<vmem>>, vector<1x1x256xi32>,
    %gt3A_87 = vector.broadcast %broadcast_in_dim3A_74 : vector<1x256xi32> to vector<4096x256xi32>
    %gt3A_88 = arith.cmpi sgt, %select_n3A_54, %gt3A_87 : vector<4096x256xi32>
    %jit3A_89 = arith.constant 4096 : i32
    %broadcast_in_dim3A_90 = vector.broadcast %jit3A_89 : i32 to vector<4096x256xi32>
    %select_n3A_91 = arith.select %gt3A_88, %select_n3A_54, %broadcast_in_dim3A_90 : vector<4096x256xi1>, vector<4096x256xi32>
    %reduce_min3A_92 = arith.constant dense<2147483647> : vector<256xi32>
    %reduce_min3A_93 = vector.multi_reduction <minsi>, %select_n3A_91, %reduce_min3A_92 [0] : vector<4096x256xi32> to vector<256xi32>
    %broadcast_in_dim3A_94 = vector.shape_cast %reduce_min3A_93 : vector<256xi32> to vector<1x256xi32>
    %eq3A_95 = arith.constant 4096 : i32
    %eq3A_96 = vector.broadcast %eq3A_95 : i32 to vector<1x256xi32>
    %eq3A_97 = arith.cmpi eq, %broadcast_in_dim3A_94, %eq3A_96 : vector<1x256xi32>
    %select_n3A_98 = arith.select %eq3A_97, %min3A_58, %broadcast_in_dim3A_94 : vector<1x256xi1>, vector<1x256xi32>
    %add3A_99 = vector.broadcast %mul3A_60 : i32 to vector<1x256xi32>
    %add3A_100 = arith.addi %select_n3A_98, %add3A_99 : vector<1x256xi32>
    %swap3A_101 = arith.constant 0 : index
    %swap3A_102 = arith.constant 2 : index
    %swap3A_103 = arith.constant 0 : index
    %swap3A_104 = vector.load %arg8[%swap3A_101, %swap3A_102, %swap3A_103] : memref<1x32x256xi32, #tpu.memory_space<vmem>>, vector<1x1x256xi32>
    %swap3A_105 = vector.shape_cast %swap3A_104 : vector<1x1x256xi32> to vector<1x256xi32>
    %swap3A_106 = vector.shape_cast %add3A_100 : vector<1x256xi32> to vector<1x1x256xi32>
    tpu.vector_store %arg8[%swap3A_101, %swap3A_102, %swap3A_103], %swap3A_106 {strides = array<i32>} : memref<1x32x256xi32, #tpu.memory_space<vmem>>, vector<1x1x256xi32>,
    %gt3A_107 = vector.broadcast %broadcast_in_dim3A_94 : vector<1x256xi32> to vector<4096x256xi32>
    %gt3A_108 = arith.cmpi sgt, %select_n3A_54, %gt3A_107 : vector<4096x256xi32>
    %jit3A_109 = arith.constant 4096 : i32
    %broadcast_in_dim3A_110 = vector.broadcast %jit3A_109 : i32 to vector<4096x256xi32>
    %select_n3A_111 = arith.select %gt3A_108, %select_n3A_54, %broadcast_in_dim3A_110 : vector<4096x256xi1>, vector<4096x256xi32>
    %reduce_min3A_112 = arith.constant dense<2147483647> : vector<256xi32>
    %reduce_min3A_113 = vector.multi_reduction <minsi>, %select_n3A_111, %reduce_min3A_112 [0] : vector<4096x256xi32> to vector<256xi32>
    %broadcast_in_dim3A_114 = vector.shape_cast %reduce_min3A_113 : vector<256xi32> to vector<1x256xi32>
    %eq3A_115 = arith.constant 4096 : i32
    %eq3A_116 = vector.broadcast %eq3A_115 : i32 to vector<1x256xi32>
    %eq3A_117 = arith.cmpi eq, %broadcast_in_dim3A_114, %eq3A_116 : vector<1x256xi32>
    %select_n3A_118 = arith.select %eq3A_117, %min3A_58, %broadcast_in_dim3A_114 : vector<1x256xi1>, vector<1x256xi32>
    %add3A_119 = vector.broadcast %mul3A_60 : i32 to vector<1x256xi32>
    %add3A_120 = arith.addi %select_n3A_118, %add3A_119 : vector<1x256xi32>
    %swap3A_121 = arith.constant 0 : index
    %swap3A_122 = arith.constant 3 : index
    %swap3A_123 = arith.constant 0 : index
    %swap3A_124 = vector.load %arg8[%swap3A_121, %swap3A_122, %swap3A_123] : memref<1x32x256xi32, #tpu.memory_space<vmem>>, vector<1x1x256xi32>
    %swap3A_125 = vector.shape_cast %swap3A_124 : vector<1x1x256xi32> to vector<1x256xi32>
    %swap3A_126 = vector.shape_cast %add3A_120 : vector<1x256xi32> to vector<1x1x256xi32>
    tpu.vector_store %arg8[%swap3A_121, %swap3A_122, %swap3A_123], %swap3A_126 {strides = array<i32>} : memref<1x32x256xi32, #tpu.memory_space<vmem>>, vector<1x1x256xi32>,
    %gt3A_127 = vector.broadcast %broadcast_in_dim3A_114 : vector<1x256xi32> to vector<4096x256xi32>
    %gt3A_128 = arith.cmpi sgt, %select_n3A_54, %gt3A_127 : vector<4096x256xi32>
    %jit3A_129 = arith.constant 4096 : i32
    %broadcast_in_dim3A_130 = vector.broadcast %jit3A_129 : i32 to vector<4096x256xi32>
    %select_n3A_131 = arith.select %gt3A_128, %select_n3A_54, %broadcast_in_dim3A_130 : vector<4096x256xi1>, vector<4096x256xi32>
    %reduce_min3A_132 = arith.constant dense<2147483647> : vector<256xi32>
    %reduce_min3A_133 = vector.multi_reduction <minsi>, %select_n3A_131, %reduce_min3A_132 [0] : vector<4096x256xi32> to vector<256xi32>
    %broadcast_in_dim3A_134 = vector.shape_cast %reduce_min3A_133 : vector<256xi32> to vector<1x256xi32>
    %eq3A_135 = arith.constant 4096 : i32
    %eq3A_136 = vector.broadcast %eq3A_135 : i32 to vector<1x256xi32>
    %eq3A_137 = arith.cmpi eq, %broadcast_in_dim3A_134, %eq3A_136 : vector<1x256xi32>
    %select_n3A_138 = arith.select %eq3A_137, %min3A_58, %broadcast_in_dim3A_134 : vector<1x256xi1>, vector<1x256xi32>
    %add3A_139 = vector.broadcast %mul3A_60 : i32 to vector<1x256xi32>
    %add3A_140 = arith.addi %select_n3A_138, %add3A_139 : vector<1x256xi32>
    %swap3A_141 = arith.constant 0 : index
    %swap3A_142 = arith.constant 4 : index
    %swap3A_143 = arith.constant 0 : index
    %swap3A_144 = vector.load %arg8[%swap3A_141, %swap3A_142, %swap3A_143] : memref<1x32x256xi32, #tpu.memory_space<vmem>>, vector<1x1x256xi32>
    %swap3A_145 = vector.shape_cast %swap3A_144 : vector<1x1x256xi32> to vector<1x256xi32>
    %swap3A_146 = vector.shape_cast %add3A_140 : vector<1x256xi32> to vector<1x1x256xi32>
    tpu.vector_store %arg8[%swap3A_141, %swap3A_142, %swap3A_143], %swap3A_146 {strides = array<i32>} : memref<1x32x256xi32, #tpu.memory_space<vmem>>, vector<1x1x256xi32>,
    %gt3A_147 = vector.broadcast %broadcast_in_dim3A_134 : vector<1x256xi32> to vector<4096x256xi32>
    %gt3A_148 = arith.cmpi sgt, %select_n3A_54, %gt3A_147 : vector<4096x256xi32>
    %jit3A_149 = arith.constant 4096 : i32
    %broadcast_in_dim3A_150 = vector.broadcast %jit3A_149 : i32 to vector<4096x256xi32>
    %select_n3A_151 = arith.select %gt3A_148, %select_n3A_54, %broadcast_in_dim3A_150 : vector<4096x256xi1>, vector<4096x256xi32>
    %reduce_min3A_152 = arith.constant dense<2147483647> : vector<256xi32>
    %reduce_min3A_153 = vector.multi_reduction <minsi>, %select_n3A_151, %reduce_min3A_152 [0] : vector<4096x256xi32> to vector<256xi32>
    %broadcast_in_dim3A_154 = vector.shape_cast %reduce_min3A_153 : vector<256xi32> to vector<1x256xi32>
    %eq3A_155 = arith.constant 4096 : i32
    %eq3A_156 = vector.broadcast %eq3A_155 : i32 to vector<1x256xi32>
    %eq3A_157 = arith.cmpi eq, %broadcast_in_dim3A_154, %eq3A_156 : vector<1x256xi32>
    %select_n3A_158 = arith.select %eq3A_157, %min3A_58, %broadcast_in_dim3A_154 : vector<1x256xi1>, vector<1x256xi32>
    %add3A_159 = vector.broadcast %mul3A_60 : i32 to vector<1x256xi32>
    %add3A_160 = arith.addi %select_n3A_158, %add3A_159 : vector<1x256xi32>
    %swap3A_161 = arith.constant 0 : index
    %swap3A_162 = arith.constant 5 : index
    %swap3A_163 = arith.constant 0 : index
    %swap3A_164 = vector.load %arg8[%swap3A_161, %swap3A_162, %swap3A_163] : memref<1x32x256xi32, #tpu.memory_space<vmem>>, vector<1x1x256xi32>
    %swap3A_165 = vector.shape_cast %swap3A_164 : vector<1x1x256xi32> to vector<1x256xi32>
    %swap3A_166 = vector.shape_cast %add3A_160 : vector<1x256xi32> to vector<1x1x256xi32>
    tpu.vector_store %arg8[%swap3A_161, %swap3A_162, %swap3A_163], %swap3A_166 {strides = array<i32>} : memref<1x32x256xi32, #tpu.memory_space<vmem>>, vector<1x1x256xi32>,
    %gt3A_167 = vector.broadcast %broadcast_in_dim3A_154 : vector<1x256xi32> to vector<4096x256xi32>
    %gt3A_168 = arith.cmpi sgt, %select_n3A_54, %gt3A_167 : vector<4096x256xi32>
    %jit3A_169 = arith.constant 4096 : i32
    %broadcast_in_dim3A_170 = vector.broadcast %jit3A_169 : i32 to vector<4096x256xi32>
    %select_n3A_171 = arith.select %gt3A_168, %select_n3A_54, %broadcast_in_dim3A_170 : vector<4096x256xi1>, vector<4096x256xi32>
    %reduce_min3A_172 = arith.constant dense<2147483647> : vector<256xi32>
    %reduce_min3A_173 = vector.multi_reduction <minsi>, %select_n3A_171, %reduce_min3A_172 [0] : vector<4096x256xi32> to vector<256xi32>
    %broadcast_in_dim3A_174 = vector.shape_cast %reduce_min3A_173 : vector<256xi32> to vector<1x256xi32>
    %eq3A_175 = arith.constant 4096 : i32
    %eq3A_176 = vector.broadcast %eq3A_175 : i32 to vector<1x256xi32>
    %eq3A_177 = arith.cmpi eq, %broadcast_in_dim3A_174, %eq3A_176 : vector<1x256xi32>
    %select_n3A_178 = arith.select %eq3A_177, %min3A_58, %broadcast_in_dim3A_174 : vector<1x256xi1>, vector<1x256xi32>
    %add3A_179 = vector.broadcast %mul3A_60 : i32 to vector<1x256xi32>
    %add3A_180 = arith.addi %select_n3A_178, %add3A_179 : vector<1x256xi32>
    %swap3A_181 = arith.constant 0 : index
    %swap3A_182 = arith.constant 6 : index
    %swap3A_183 = arith.constant 0 : index
    %swap3A_184 = vector.load %arg8[%swap3A_181, %swap3A_182, %swap3A_183] : memref<1x32x256xi32, #tpu.memory_space<vmem>>, vector<1x1x256xi32>
    %swap3A_185 = vector.shape_cast %swap3A_184 : vector<1x1x256xi32> to vector<1x256xi32>
    %swap3A_186 = vector.shape_cast %add3A_180 : vector<1x256xi32> to vector<1x1x256xi32>
    tpu.vector_store %arg8[%swap3A_181, %swap3A_182, %swap3A_183], %swap3A_186 {strides = array<i32>} : memref<1x32x256xi32, #tpu.memory_space<vmem>>, vector<1x1x256xi32>,
    %gt3A_187 = vector.broadcast %broadcast_in_dim3A_174 : vector<1x256xi32> to vector<4096x256xi32>
    %gt3A_188 = arith.cmpi sgt, %select_n3A_54, %gt3A_187 : vector<4096x256xi32>
    %jit3A_189 = arith.constant 4096 : i32
    %broadcast_in_dim3A_190 = vector.broadcast %jit3A_189 : i32 to vector<4096x256xi32>
    %select_n3A_191 = arith.select %gt3A_188, %select_n3A_54, %broadcast_in_dim3A_190 : vector<4096x256xi1>, vector<4096x256xi32>
    %reduce_min3A_192 = arith.constant dense<2147483647> : vector<256xi32>
    %reduce_min3A_193 = vector.multi_reduction <minsi>, %select_n3A_191, %reduce_min3A_192 [0] : vector<4096x256xi32> to vector<256xi32>
    %broadcast_in_dim3A_194 = vector.shape_cast %reduce_min3A_193 : vector<256xi32> to vector<1x256xi32>
    %eq3A_195 = arith.constant 4096 : i32
    %eq3A_196 = vector.broadcast %eq3A_195 : i32 to vector<1x256xi32>
    %eq3A_197 = arith.cmpi eq, %broadcast_in_dim3A_194, %eq3A_196 : vector<1x256xi32>
    %select_n3A_198 = arith.select %eq3A_197, %min3A_58, %broadcast_in_dim3A_194 : vector<1x256xi1>, vector<1x256xi32>
    %add3A_199 = vector.broadcast %mul3A_60 : i32 to vector<1x256xi32>
    %add3A_200 = arith.addi %select_n3A_198, %add3A_199 : vector<1x256xi32>
    %swap3A_201 = arith.constant 0 : index
    %swap3A_202 = arith.constant 7 : index
    %swap3A_203 = arith.constant 0 : index
    %swap3A_204 = vector.load %arg8[%swap3A_201, %swap3A_202, %swap3A_203] : memref<1x32x256xi32, #tpu.memory_space<vmem>>, vector<1x1x256xi32>
    %swap3A_205 = vector.shape_cast %swap3A_204 : vector<1x1x256xi32> to vector<1x256xi32>
    %swap3A_206 = vector.shape_cast %add3A_200 : vector<1x256xi32> to vector<1x1x256xi32>
    tpu.vector_store %arg8[%swap3A_201, %swap3A_202, %swap3A_203], %swap3A_206 {strides = array<i32>} : memref<1x32x256xi32, #tpu.memory_space<vmem>>, vector<1x1x256xi32>,
    %gt3A_207 = vector.broadcast %broadcast_in_dim3A_194 : vector<1x256xi32> to vector<4096x256xi32>
    %gt3A_208 = arith.cmpi sgt, %select_n3A_54, %gt3A_207 : vector<4096x256xi32>
    %jit3A_209 = arith.constant 4096 : i32
    %broadcast_in_dim3A_210 = vector.broadcast %jit3A_209 : i32 to vector<4096x256xi32>
    %select_n3A_211 = arith.select %gt3A_208, %select_n3A_54, %broadcast_in_dim3A_210 : vector<4096x256xi1>, vector<4096x256xi32>
    %reduce_min3A_212 = arith.constant dense<2147483647> : vector<256xi32>
    %reduce_min3A_213 = vector.multi_reduction <minsi>, %select_n3A_211, %reduce_min3A_212 [0] : vector<4096x256xi32> to vector<256xi32>
    %broadcast_in_dim3A_214 = vector.shape_cast %reduce_min3A_213 : vector<256xi32> to vector<1x256xi32>
    %eq3A_215 = arith.constant 4096 : i32
    %eq3A_216 = vector.broadcast %eq3A_215 : i32 to vector<1x256xi32>
    %eq3A_217 = arith.cmpi eq, %broadcast_in_dim3A_214, %eq3A_216 : vector<1x256xi32>
    %select_n3A_218 = arith.select %eq3A_217, %min3A_58, %broadcast_in_dim3A_214 : vector<1x256xi1>, vector<1x256xi32>
    %add3A_219 = vector.broadcast %mul3A_60 : i32 to vector<1x256xi32>
    %add3A_220 = arith.addi %select_n3A_218, %add3A_219 : vector<1x256xi32>
    %swap3A_221 = arith.constant 0 : index
    %swap3A_222 = arith.constant 8 : index
    %swap3A_223 = arith.constant 0 : index
    %swap3A_224 = vector.load %arg8[%swap3A_221, %swap3A_222, %swap3A_223] : memref<1x32x256xi32, #tpu.memory_space<vmem>>, vector<1x1x256xi32>
    %swap3A_225 = vector.shape_cast %swap3A_224 : vector<1x1x256xi32> to vector<1x256xi32>
    %swap3A_226 = vector.shape_cast %add3A_220 : vector<1x256xi32> to vector<1x1x256xi32>
    tpu.vector_store %arg8[%swap3A_221, %swap3A_222, %swap3A_223], %swap3A_226 {strides = array<i32>} : memref<1x32x256xi32, #tpu.memory_space<vmem>>, vector<1x1x256xi32>,
    %gt3A_227 = vector.broadcast %broadcast_in_dim3A_214 : vector<1x256xi32> to vector<4096x256xi32>
    %gt3A_228 = arith.cmpi sgt, %select_n3A_54, %gt3A_227 : vector<4096x256xi32>
    %jit3A_229 = arith.constant 4096 : i32
    %broadcast_in_dim3A_230 = vector.broadcast %jit3A_229 : i32 to vector<4096x256xi32>
    %select_n3A_231 = arith.select %gt3A_228, %select_n3A_54, %broadcast_in_dim3A_230 : vector<4096x256xi1>, vector<4096x256xi32>
    %reduce_min3A_232 = arith.constant dense<2147483647> : vector<256xi32>
    %reduce_min3A_233 = vector.multi_reduction <minsi>, %select_n3A_231, %reduce_min3A_232 [0] : vector<4096x256xi32> to vector<256xi32>
    %broadcast_in_dim3A_234 = vector.shape_cast %reduce_min3A_233 : vector<256xi32> to vector<1x256xi32>
    %eq3A_235 = arith.constant 4096 : i32
    %eq3A_236 = vector.broadcast %eq3A_235 : i32 to vector<1x256xi32>
    %eq3A_237 = arith.cmpi eq, %broadcast_in_dim3A_234, %eq3A_236 : vector<1x256xi32>
    %select_n3A_238 = arith.select %eq3A_237, %min3A_58, %broadcast_in_dim3A_234 : vector<1x256xi1>, vector<1x256xi32>
    %add3A_239 = vector.broadcast %mul3A_60 : i32 to vector<1x256xi32>
    %add3A_240 = arith.addi %select_n3A_238, %add3A_239 : vector<1x256xi32>
    %swap3A_241 = arith.constant 0 : index
    %swap3A_242 = arith.constant 9 : index
    %swap3A_243 = arith.constant 0 : index
    %swap3A_244 = vector.load %arg8[%swap3A_241, %swap3A_242, %swap3A_243] : memref<1x32x256xi32, #tpu.memory_space<vmem>>, vector<1x1x256xi32>
    %swap3A_245 = vector.shape_cast %swap3A_244 : vector<1x1x256xi32> to vector<1x256xi32>
    %swap3A_246 = vector.shape_cast %add3A_240 : vector<1x256xi32> to vector<1x1x256xi32>
    tpu.vector_store %arg8[%swap3A_241, %swap3A_242, %swap3A_243], %swap3A_246 {strides = array<i32>} : memref<1x32x256xi32, #tpu.memory_space<vmem>>, vector<1x1x256xi32>,
    %gt3A_247 = vector.broadcast %broadcast_in_dim3A_234 : vector<1x256xi32> to vector<4096x256xi32>
    %gt3A_248 = arith.cmpi sgt, %select_n3A_54, %gt3A_247 : vector<4096x256xi32>
    %jit3A_249 = arith.constant 4096 : i32
    %broadcast_in_dim3A_250 = vector.broadcast %jit3A_249 : i32 to vector<4096x256xi32>
    %select_n3A_251 = arith.select %gt3A_248, %select_n3A_54, %broadcast_in_dim3A_250 : vector<4096x256xi1>, vector<4096x256xi32>
    %reduce_min3A_252 = arith.constant dense<2147483647> : vector<256xi32>
    %reduce_min3A_253 = vector.multi_reduction <minsi>, %select_n3A_251, %reduce_min3A_252 [0] : vector<4096x256xi32> to vector<256xi32>
    %broadcast_in_dim3A_254 = vector.shape_cast %reduce_min3A_253 : vector<256xi32> to vector<1x256xi32>
    %eq3A_255 = arith.constant 4096 : i32
    %eq3A_256 = vector.broadcast %eq3A_255 : i32 to vector<1x256xi32>
    %eq3A_257 = arith.cmpi eq, %broadcast_in_dim3A_254, %eq3A_256 : vector<1x256xi32>
    %select_n3A_258 = arith.select %eq3A_257, %min3A_58, %broadcast_in_dim3A_254 : vector<1x256xi1>, vector<1x256xi32>
    %add3A_259 = vector.broadcast %mul3A_60 : i32 to vector<1x256xi32>
    %add3A_260 = arith.addi %select_n3A_258, %add3A_259 : vector<1x256xi32>
    %swap3A_261 = arith.constant 0 : index
    %swap3A_262 = arith.constant 10 : index
    %swap3A_263 = arith.constant 0 : index
    %swap3A_264 = vector.load %arg8[%swap3A_261, %swap3A_262, %swap3A_263] : memref<1x32x256xi32, #tpu.memory_space<vmem>>, vector<1x1x256xi32>
    %swap3A_265 = vector.shape_cast %swap3A_264 : vector<1x1x256xi32> to vector<1x256xi32>
    %swap3A_266 = vector.shape_cast %add3A_260 : vector<1x256xi32> to vector<1x1x256xi32>
    tpu.vector_store %arg8[%swap3A_261, %swap3A_262, %swap3A_263], %swap3A_266 {strides = array<i32>} : memref<1x32x256xi32, #tpu.memory_space<vmem>>, vector<1x1x256xi32>,
    %gt3A_267 = vector.broadcast %broadcast_in_dim3A_254 : vector<1x256xi32> to vector<4096x256xi32>
    %gt3A_268 = arith.cmpi sgt, %select_n3A_54, %gt3A_267 : vector<4096x256xi32>
    %jit3A_269 = arith.constant 4096 : i32
    %broadcast_in_dim3A_270 = vector.broadcast %jit3A_269 : i32 to vector<4096x256xi32>
    %select_n3A_271 = arith.select %gt3A_268, %select_n3A_54, %broadcast_in_dim3A_270 : vector<4096x256xi1>, vector<4096x256xi32>
    %reduce_min3A_272 = arith.constant dense<2147483647> : vector<256xi32>
    %reduce_min3A_273 = vector.multi_reduction <minsi>, %select_n3A_271, %reduce_min3A_272 [0] : vector<4096x256xi32> to vector<256xi32>
    %broadcast_in_dim3A_274 = vector.shape_cast %reduce_min3A_273 : vector<256xi32> to vector<1x256xi32>
    %eq3A_275 = arith.constant 4096 : i32
    %eq3A_276 = vector.broadcast %eq3A_275 : i32 to vector<1x256xi32>
    %eq3A_277 = arith.cmpi eq, %broadcast_in_dim3A_274, %eq3A_276 : vector<1x256xi32>
    %select_n3A_278 = arith.select %eq3A_277, %min3A_58, %broadcast_in_dim3A_274 : vector<1x256xi1>, vector<1x256xi32>
    %add3A_279 = vector.broadcast %mul3A_60 : i32 to vector<1x256xi32>
    %add3A_280 = arith.addi %select_n3A_278, %add3A_279 : vector<1x256xi32>
    %swap3A_281 = arith.constant 0 : index
    %swap3A_282 = arith.constant 11 : index
    %swap3A_283 = arith.constant 0 : index
    %swap3A_284 = vector.load %arg8[%swap3A_281, %swap3A_282, %swap3A_283] : memref<1x32x256xi32, #tpu.memory_space<vmem>>, vector<1x1x256xi32>
    %swap3A_285 = vector.shape_cast %swap3A_284 : vector<1x1x256xi32> to vector<1x256xi32>
    %swap3A_286 = vector.shape_cast %add3A_280 : vector<1x256xi32> to vector<1x1x256xi32>
    tpu.vector_store %arg8[%swap3A_281, %swap3A_282, %swap3A_283], %swap3A_286 {strides = array<i32>} : memref<1x32x256xi32, #tpu.memory_space<vmem>>, vector<1x1x256xi32>,
    %gt3A_287 = vector.broadcast %broadcast_in_dim3A_274 : vector<1x256xi32> to vector<4096x256xi32>
    %gt3A_288 = arith.cmpi sgt, %select_n3A_54, %gt3A_287 : vector<4096x256xi32>
    %jit3A_289 = arith.constant 4096 : i32
    %broadcast_in_dim3A_290 = vector.broadcast %jit3A_289 : i32 to vector<4096x256xi32>
    %select_n3A_291 = arith.select %gt3A_288, %select_n3A_54, %broadcast_in_dim3A_290 : vector<4096x256xi1>, vector<4096x256xi32>
    %reduce_min3A_292 = arith.constant dense<2147483647> : vector<256xi32>
    %reduce_min3A_293 = vector.multi_reduction <minsi>, %select_n3A_291, %reduce_min3A_292 [0] : vector<4096x256xi32> to vector<256xi32>
    %broadcast_in_dim3A_294 = vector.shape_cast %reduce_min3A_293 : vector<256xi32> to vector<1x256xi32>
    %eq3A_295 = arith.constant 4096 : i32
    %eq3A_296 = vector.broadcast %eq3A_295 : i32 to vector<1x256xi32>
    %eq3A_297 = arith.cmpi eq, %broadcast_in_dim3A_294, %eq3A_296 : vector<1x256xi32>
    %select_n3A_298 = arith.select %eq3A_297, %min3A_58, %broadcast_in_dim3A_294 : vector<1x256xi1>, vector<1x256xi32>
    %add3A_299 = vector.broadcast %mul3A_60 : i32 to vector<1x256xi32>
    %add3A_300 = arith.addi %select_n3A_298, %add3A_299 : vector<1x256xi32>
    %swap3A_301 = arith.constant 0 : index
    %swap3A_302 = arith.constant 12 : index
    %swap3A_303 = arith.constant 0 : index
    %swap3A_304 = vector.load %arg8[%swap3A_301, %swap3A_302, %swap3A_303] : memref<1x32x256xi32, #tpu.memory_space<vmem>>, vector<1x1x256xi32>
    %swap3A_305 = vector.shape_cast %swap3A_304 : vector<1x1x256xi32> to vector<1x256xi32>
    %swap3A_306 = vector.shape_cast %add3A_300 : vector<1x256xi32> to vector<1x1x256xi32>
    tpu.vector_store %arg8[%swap3A_301, %swap3A_302, %swap3A_303], %swap3A_306 {strides = array<i32>} : memref<1x32x256xi32, #tpu.memory_space<vmem>>, vector<1x1x256xi32>,
    %gt3A_307 = vector.broadcast %broadcast_in_dim3A_294 : vector<1x256xi32> to vector<4096x256xi32>
    %gt3A_308 = arith.cmpi sgt, %select_n3A_54, %gt3A_307 : vector<4096x256xi32>
    %jit3A_309 = arith.constant 4096 : i32
    %broadcast_in_dim3A_310 = vector.broadcast %jit3A_309 : i32 to vector<4096x256xi32>
    %select_n3A_311 = arith.select %gt3A_308, %select_n3A_54, %broadcast_in_dim3A_310 : vector<4096x256xi1>, vector<4096x256xi32>
    %reduce_min3A_312 = arith.constant dense<2147483647> : vector<256xi32>
    %reduce_min3A_313 = vector.multi_reduction <minsi>, %select_n3A_311, %reduce_min3A_312 [0] : vector<4096x256xi32> to vector<256xi32>
    %broadcast_in_dim3A_314 = vector.shape_cast %reduce_min3A_313 : vector<256xi32> to vector<1x256xi32>
    %eq3A_315 = arith.constant 4096 : i32
    %eq3A_316 = vector.broadcast %eq3A_315 : i32 to vector<1x256xi32>
    %eq3A_317 = arith.cmpi eq, %broadcast_in_dim3A_314, %eq3A_316 : vector<1x256xi32>
    %select_n3A_318 = arith.select %eq3A_317, %min3A_58, %broadcast_in_dim3A_314 : vector<1x256xi1>, vector<1x256xi32>
    %add3A_319 = vector.broadcast %mul3A_60 : i32 to vector<1x256xi32>
    %add3A_320 = arith.addi %select_n3A_318, %add3A_319 : vector<1x256xi32>
    %swap3A_321 = arith.constant 0 : index
    %swap3A_322 = arith.constant 13 : index
    %swap3A_323 = arith.constant 0 : index
    %swap3A_324 = vector.load %arg8[%swap3A_321, %swap3A_322, %swap3A_323] : memref<1x32x256xi32, #tpu.memory_space<vmem>>, vector<1x1x256xi32>
    %swap3A_325 = vector.shape_cast %swap3A_324 : vector<1x1x256xi32> to vector<1x256xi32>
    %swap3A_326 = vector.shape_cast %add3A_320 : vector<1x256xi32> to vector<1x1x256xi32>
    tpu.vector_store %arg8[%swap3A_321, %swap3A_322, %swap3A_323], %swap3A_326 {strides = array<i32>} : memref<1x32x256xi32, #tpu.memory_space<vmem>>, vector<1x1x256xi32>,
    %gt3A_327 = vector.broadcast %broadcast_in_dim3A_314 : vector<1x256xi32> to vector<4096x256xi32>
    %gt3A_328 = arith.cmpi sgt, %select_n3A_54, %gt3A_327 : vector<4096x256xi32>
    %jit3A_329 = arith.constant 4096 : i32
    %broadcast_in_dim3A_330 = vector.broadcast %jit3A_329 : i32 to vector<4096x256xi32>
    %select_n3A_331 = arith.select %gt3A_328, %select_n3A_54, %broadcast_in_dim3A_330 : vector<4096x256xi1>, vector<4096x256xi32>
    %reduce_min3A_332 = arith.constant dense<2147483647> : vector<256xi32>
    %reduce_min3A_333 = vector.multi_reduction <minsi>, %select_n3A_331, %reduce_min3A_332 [0] : vector<4096x256xi32> to vector<256xi32>
    %broadcast_in_dim3A_334 = vector.shape_cast %reduce_min3A_333 : vector<256xi32> to vector<1x256xi32>
    %eq3A_335 = arith.constant 4096 : i32
    %eq3A_336 = vector.broadcast %eq3A_335 : i32 to vector<1x256xi32>
    %eq3A_337 = arith.cmpi eq, %broadcast_in_dim3A_334, %eq3A_336 : vector<1x256xi32>
    %select_n3A_338 = arith.select %eq3A_337, %min3A_58, %broadcast_in_dim3A_334 : vector<1x256xi1>, vector<1x256xi32>
    %add3A_339 = vector.broadcast %mul3A_60 : i32 to vector<1x256xi32>
    %add3A_340 = arith.addi %select_n3A_338, %add3A_339 : vector<1x256xi32>
    %swap3A_341 = arith.constant 0 : index
    %swap3A_342 = arith.constant 14 : index
    %swap3A_343 = arith.constant 0 : index
    %swap3A_344 = vector.load %arg8[%swap3A_341, %swap3A_342, %swap3A_343] : memref<1x32x256xi32, #tpu.memory_space<vmem>>, vector<1x1x256xi32>
    %swap3A_345 = vector.shape_cast %swap3A_344 : vector<1x1x256xi32> to vector<1x256xi32>
    %swap3A_346 = vector.shape_cast %add3A_340 : vector<1x256xi32> to vector<1x1x256xi32>
    tpu.vector_store %arg8[%swap3A_341, %swap3A_342, %swap3A_343], %swap3A_346 {strides = array<i32>} : memref<1x32x256xi32, #tpu.memory_space<vmem>>, vector<1x1x256xi32>,
    %gt3A_347 = vector.broadcast %broadcast_in_dim3A_334 : vector<1x256xi32> to vector<4096x256xi32>
    %gt3A_348 = arith.cmpi sgt, %select_n3A_54, %gt3A_347 : vector<4096x256xi32>
    %jit3A_349 = arith.constant 4096 : i32
    %broadcast_in_dim3A_350 = vector.broadcast %jit3A_349 : i32 to vector<4096x256xi32>
    %select_n3A_351 = arith.select %gt3A_348, %select_n3A_54, %broadcast_in_dim3A_350 : vector<4096x256xi1>, vector<4096x256xi32>
    %reduce_min3A_352 = arith.constant dense<2147483647> : vector<256xi32>
    %reduce_min3A_353 = vector.multi_reduction <minsi>, %select_n3A_351, %reduce_min3A_352 [0] : vector<4096x256xi32> to vector<256xi32>
    %broadcast_in_dim3A_354 = vector.shape_cast %reduce_min3A_353 : vector<256xi32> to vector<1x256xi32>
    %eq3A_355 = arith.constant 4096 : i32
    %eq3A_356 = vector.broadcast %eq3A_355 : i32 to vector<1x256xi32>
    %eq3A_357 = arith.cmpi eq, %broadcast_in_dim3A_354, %eq3A_356 : vector<1x256xi32>
    %select_n3A_358 = arith.select %eq3A_357, %min3A_58, %broadcast_in_dim3A_354 : vector<1x256xi1>, vector<1x256xi32>
    %add3A_359 = vector.broadcast %mul3A_60 : i32 to vector<1x256xi32>
    %add3A_360 = arith.addi %select_n3A_358, %add3A_359 : vector<1x256xi32>
    %swap3A_361 = arith.constant 0 : index
    %swap3A_362 = arith.constant 15 : index
    %swap3A_363 = arith.constant 0 : index
    %swap3A_364 = vector.load %arg8[%swap3A_361, %swap3A_362, %swap3A_363] : memref<1x32x256xi32, #tpu.memory_space<vmem>>, vector<1x1x256xi32>
    %swap3A_365 = vector.shape_cast %swap3A_364 : vector<1x1x256xi32> to vector<1x256xi32>
    %swap3A_366 = vector.shape_cast %add3A_360 : vector<1x256xi32> to vector<1x1x256xi32>
    tpu.vector_store %arg8[%swap3A_361, %swap3A_362, %swap3A_363], %swap3A_366 {strides = array<i32>} : memref<1x32x256xi32, #tpu.memory_space<vmem>>, vector<1x1x256xi32>,
    %gt3A_367 = vector.broadcast %broadcast_in_dim3A_354 : vector<1x256xi32> to vector<4096x256xi32>
    %gt3A_368 = arith.cmpi sgt, %select_n3A_54, %gt3A_367 : vector<4096x256xi32>
    %jit3A_369 = arith.constant 4096 : i32
    %broadcast_in_dim3A_370 = vector.broadcast %jit3A_369 : i32 to vector<4096x256xi32>
    %select_n3A_371 = arith.select %gt3A_368, %select_n3A_54, %broadcast_in_dim3A_370 : vector<4096x256xi1>, vector<4096x256xi32>
    %reduce_min3A_372 = arith.constant dense<2147483647> : vector<256xi32>
    %reduce_min3A_373 = vector.multi_reduction <minsi>, %select_n3A_371, %reduce_min3A_372 [0] : vector<4096x256xi32> to vector<256xi32>
    %broadcast_in_dim3A_374 = vector.shape_cast %reduce_min3A_373 : vector<256xi32> to vector<1x256xi32>
    %eq3A_375 = arith.constant 4096 : i32
    %eq3A_376 = vector.broadcast %eq3A_375 : i32 to vector<1x256xi32>
    %eq3A_377 = arith.cmpi eq, %broadcast_in_dim3A_374, %eq3A_376 : vector<1x256xi32>
    %select_n3A_378 = arith.select %eq3A_377, %min3A_58, %broadcast_in_dim3A_374 : vector<1x256xi1>, vector<1x256xi32>
    %add3A_379 = vector.broadcast %mul3A_60 : i32 to vector<1x256xi32>
    %add3A_380 = arith.addi %select_n3A_378, %add3A_379 : vector<1x256xi32>
    %swap3A_381 = arith.constant 0 : index
    %swap3A_382 = arith.constant 16 : index
    %swap3A_383 = arith.constant 0 : index
    %swap3A_384 = vector.load %arg8[%swap3A_381, %swap3A_382, %swap3A_383] : memref<1x32x256xi32, #tpu.memory_space<vmem>>, vector<1x1x256xi32>
    %swap3A_385 = vector.shape_cast %swap3A_384 : vector<1x1x256xi32> to vector<1x256xi32>
    %swap3A_386 = vector.shape_cast %add3A_380 : vector<1x256xi32> to vector<1x1x256xi32>
    tpu.vector_store %arg8[%swap3A_381, %swap3A_382, %swap3A_383], %swap3A_386 {strides = array<i32>} : memref<1x32x256xi32, #tpu.memory_space<vmem>>, vector<1x1x256xi32>,
    %gt3A_387 = vector.broadcast %broadcast_in_dim3A_374 : vector<1x256xi32> to vector<4096x256xi32>
    %gt3A_388 = arith.cmpi sgt, %select_n3A_54, %gt3A_387 : vector<4096x256xi32>
    %jit3A_389 = arith.constant 4096 : i32
    %broadcast_in_dim3A_390 = vector.broadcast %jit3A_389 : i32 to vector<4096x256xi32>
    %select_n3A_391 = arith.select %gt3A_388, %select_n3A_54, %broadcast_in_dim3A_390 : vector<4096x256xi1>, vector<4096x256xi32>
    %reduce_min3A_392 = arith.constant dense<2147483647> : vector<256xi32>
    %reduce_min3A_393 = vector.multi_reduction <minsi>, %select_n3A_391, %reduce_min3A_392 [0] : vector<4096x256xi32> to vector<256xi32>
    %broadcast_in_dim3A_394 = vector.shape_cast %reduce_min3A_393 : vector<256xi32> to vector<1x256xi32>
    %eq3A_395 = arith.constant 4096 : i32
    %eq3A_396 = vector.broadcast %eq3A_395 : i32 to vector<1x256xi32>
    %eq3A_397 = arith.cmpi eq, %broadcast_in_dim3A_394, %eq3A_396 : vector<1x256xi32>
    %select_n3A_398 = arith.select %eq3A_397, %min3A_58, %broadcast_in_dim3A_394 : vector<1x256xi1>, vector<1x256xi32>
    %add3A_399 = vector.broadcast %mul3A_60 : i32 to vector<1x256xi32>
    %add3A_400 = arith.addi %select_n3A_398, %add3A_399 : vector<1x256xi32>
    %swap3A_401 = arith.constant 0 : index
    %swap3A_402 = arith.constant 17 : index
    %swap3A_403 = arith.constant 0 : index
    %swap3A_404 = vector.load %arg8[%swap3A_401, %swap3A_402, %swap3A_403] : memref<1x32x256xi32, #tpu.memory_space<vmem>>, vector<1x1x256xi32>
    %swap3A_405 = vector.shape_cast %swap3A_404 : vector<1x1x256xi32> to vector<1x256xi32>
    %swap3A_406 = vector.shape_cast %add3A_400 : vector<1x256xi32> to vector<1x1x256xi32>
    tpu.vector_store %arg8[%swap3A_401, %swap3A_402, %swap3A_403], %swap3A_406 {strides = array<i32>} : memref<1x32x256xi32, #tpu.memory_space<vmem>>, vector<1x1x256xi32>,
    %gt3A_407 = vector.broadcast %broadcast_in_dim3A_394 : vector<1x256xi32> to vector<4096x256xi32>
    %gt3A_408 = arith.cmpi sgt, %select_n3A_54, %gt3A_407 : vector<4096x256xi32>
    %jit3A_409 = arith.constant 4096 : i32
    %broadcast_in_dim3A_410 = vector.broadcast %jit3A_409 : i32 to vector<4096x256xi32>
    %select_n3A_411 = arith.select %gt3A_408, %select_n3A_54, %broadcast_in_dim3A_410 : vector<4096x256xi1>, vector<4096x256xi32>
    %reduce_min3A_412 = arith.constant dense<2147483647> : vector<256xi32>
    %reduce_min3A_413 = vector.multi_reduction <minsi>, %select_n3A_411, %reduce_min3A_412 [0] : vector<4096x256xi32> to vector<256xi32>
    %broadcast_in_dim3A_414 = vector.shape_cast %reduce_min3A_413 : vector<256xi32> to vector<1x256xi32>
    %eq3A_415 = arith.constant 4096 : i32
    %eq3A_416 = vector.broadcast %eq3A_415 : i32 to vector<1x256xi32>
    %eq3A_417 = arith.cmpi eq, %broadcast_in_dim3A_414, %eq3A_416 : vector<1x256xi32>
    %select_n3A_418 = arith.select %eq3A_417, %min3A_58, %broadcast_in_dim3A_414 : vector<1x256xi1>, vector<1x256xi32>
    %add3A_419 = vector.broadcast %mul3A_60 : i32 to vector<1x256xi32>
    %add3A_420 = arith.addi %select_n3A_418, %add3A_419 : vector<1x256xi32>
    %swap3A_421 = arith.constant 0 : index
    %swap3A_422 = arith.constant 18 : index
    %swap3A_423 = arith.constant 0 : index
    %swap3A_424 = vector.load %arg8[%swap3A_421, %swap3A_422, %swap3A_423] : memref<1x32x256xi32, #tpu.memory_space<vmem>>, vector<1x1x256xi32>
    %swap3A_425 = vector.shape_cast %swap3A_424 : vector<1x1x256xi32> to vector<1x256xi32>
    %swap3A_426 = vector.shape_cast %add3A_420 : vector<1x256xi32> to vector<1x1x256xi32>
    tpu.vector_store %arg8[%swap3A_421, %swap3A_422, %swap3A_423], %swap3A_426 {strides = array<i32>} : memref<1x32x256xi32, #tpu.memory_space<vmem>>, vector<1x1x256xi32>,
    %gt3A_427 = vector.broadcast %broadcast_in_dim3A_414 : vector<1x256xi32> to vector<4096x256xi32>
    %gt3A_428 = arith.cmpi sgt, %select_n3A_54, %gt3A_427 : vector<4096x256xi32>
    %jit3A_429 = arith.constant 4096 : i32
    %broadcast_in_dim3A_430 = vector.broadcast %jit3A_429 : i32 to vector<4096x256xi32>
    %select_n3A_431 = arith.select %gt3A_428, %select_n3A_54, %broadcast_in_dim3A_430 : vector<4096x256xi1>, vector<4096x256xi32>
    %reduce_min3A_432 = arith.constant dense<2147483647> : vector<256xi32>
    %reduce_min3A_433 = vector.multi_reduction <minsi>, %select_n3A_431, %reduce_min3A_432 [0] : vector<4096x256xi32> to vector<256xi32>
    %broadcast_in_dim3A_434 = vector.shape_cast %reduce_min3A_433 : vector<256xi32> to vector<1x256xi32>
    %eq3A_435 = arith.constant 4096 : i32
    %eq3A_436 = vector.broadcast %eq3A_435 : i32 to vector<1x256xi32>
    %eq3A_437 = arith.cmpi eq, %broadcast_in_dim3A_434, %eq3A_436 : vector<1x256xi32>
    %select_n3A_438 = arith.select %eq3A_437, %min3A_58, %broadcast_in_dim3A_434 : vector<1x256xi1>, vector<1x256xi32>
    %add3A_439 = vector.broadcast %mul3A_60 : i32 to vector<1x256xi32>
    %add3A_440 = arith.addi %select_n3A_438, %add3A_439 : vector<1x256xi32>
    %swap3A_441 = arith.constant 0 : index
    %swap3A_442 = arith.constant 19 : index
    %swap3A_443 = arith.constant 0 : index
    %swap3A_444 = vector.load %arg8[%swap3A_441, %swap3A_442, %swap3A_443] : memref<1x32x256xi32, #tpu.memory_space<vmem>>, vector<1x1x256xi32>
    %swap3A_445 = vector.shape_cast %swap3A_444 : vector<1x1x256xi32> to vector<1x256xi32>
    %swap3A_446 = vector.shape_cast %add3A_440 : vector<1x256xi32> to vector<1x1x256xi32>
    tpu.vector_store %arg8[%swap3A_441, %swap3A_442, %swap3A_443], %swap3A_446 {strides = array<i32>} : memref<1x32x256xi32, #tpu.memory_space<vmem>>, vector<1x1x256xi32>,
    %gt3A_447 = vector.broadcast %broadcast_in_dim3A_434 : vector<1x256xi32> to vector<4096x256xi32>
    %gt3A_448 = arith.cmpi sgt, %select_n3A_54, %gt3A_447 : vector<4096x256xi32>
    %jit3A_449 = arith.constant 4096 : i32
    %broadcast_in_dim3A_450 = vector.broadcast %jit3A_449 : i32 to vector<4096x256xi32>
    %select_n3A_451 = arith.select %gt3A_448, %select_n3A_54, %broadcast_in_dim3A_450 : vector<4096x256xi1>, vector<4096x256xi32>
    %reduce_min3A_452 = arith.constant dense<2147483647> : vector<256xi32>
    %reduce_min3A_453 = vector.multi_reduction <minsi>, %select_n3A_451, %reduce_min3A_452 [0] : vector<4096x256xi32> to vector<256xi32>
    %broadcast_in_dim3A_454 = vector.shape_cast %reduce_min3A_453 : vector<256xi32> to vector<1x256xi32>
    %eq3A_455 = arith.constant 4096 : i32
    %eq3A_456 = vector.broadcast %eq3A_455 : i32 to vector<1x256xi32>
    %eq3A_457 = arith.cmpi eq, %broadcast_in_dim3A_454, %eq3A_456 : vector<1x256xi32>
    %select_n3A_458 = arith.select %eq3A_457, %min3A_58, %broadcast_in_dim3A_454 : vector<1x256xi1>, vector<1x256xi32>
    %add3A_459 = vector.broadcast %mul3A_60 : i32 to vector<1x256xi32>
    %add3A_460 = arith.addi %select_n3A_458, %add3A_459 : vector<1x256xi32>
    %swap3A_461 = arith.constant 0 : index
    %swap3A_462 = arith.constant 20 : index
    %swap3A_463 = arith.constant 0 : index
    %swap3A_464 = vector.load %arg8[%swap3A_461, %swap3A_462, %swap3A_463] : memref<1x32x256xi32, #tpu.memory_space<vmem>>, vector<1x1x256xi32>
    %swap3A_465 = vector.shape_cast %swap3A_464 : vector<1x1x256xi32> to vector<1x256xi32>
    %swap3A_466 = vector.shape_cast %add3A_460 : vector<1x256xi32> to vector<1x1x256xi32>
    tpu.vector_store %arg8[%swap3A_461, %swap3A_462, %swap3A_463], %swap3A_466 {strides = array<i32>} : memref<1x32x256xi32, #tpu.memory_space<vmem>>, vector<1x1x256xi32>,
    %gt3A_467 = vector.broadcast %broadcast_in_dim3A_454 : vector<1x256xi32> to vector<4096x256xi32>
    %gt3A_468 = arith.cmpi sgt, %select_n3A_54, %gt3A_467 : vector<4096x256xi32>
    %jit3A_469 = arith.constant 4096 : i32
    %broadcast_in_dim3A_470 = vector.broadcast %jit3A_469 : i32 to vector<4096x256xi32>
    %select_n3A_471 = arith.select %gt3A_468, %select_n3A_54, %broadcast_in_dim3A_470 : vector<4096x256xi1>, vector<4096x256xi32>
    %reduce_min3A_472 = arith.constant dense<2147483647> : vector<256xi32>
    %reduce_min3A_473 = vector.multi_reduction <minsi>, %select_n3A_471, %reduce_min3A_472 [0] : vector<4096x256xi32> to vector<256xi32>
    %broadcast_in_dim3A_474 = vector.shape_cast %reduce_min3A_473 : vector<256xi32> to vector<1x256xi32>
    %eq3A_475 = arith.constant 4096 : i32
    %eq3A_476 = vector.broadcast %eq3A_475 : i32 to vector<1x256xi32>
    %eq3A_477 = arith.cmpi eq, %broadcast_in_dim3A_474, %eq3A_476 : vector<1x256xi32>
    %select_n3A_478 = arith.select %eq3A_477, %min3A_58, %broadcast_in_dim3A_474 : vector<1x256xi1>, vector<1x256xi32>
    %add3A_479 = vector.broadcast %mul3A_60 : i32 to vector<1x256xi32>
    %add3A_480 = arith.addi %select_n3A_478, %add3A_479 : vector<1x256xi32>
    %swap3A_481 = arith.constant 0 : index
    %swap3A_482 = arith.constant 21 : index
    %swap3A_483 = arith.constant 0 : index
    %swap3A_484 = vector.load %arg8[%swap3A_481, %swap3A_482, %swap3A_483] : memref<1x32x256xi32, #tpu.memory_space<vmem>>, vector<1x1x256xi32>
    %swap3A_485 = vector.shape_cast %swap3A_484 : vector<1x1x256xi32> to vector<1x256xi32>
    %swap3A_486 = vector.shape_cast %add3A_480 : vector<1x256xi32> to vector<1x1x256xi32>
    tpu.vector_store %arg8[%swap3A_481, %swap3A_482, %swap3A_483], %swap3A_486 {strides = array<i32>} : memref<1x32x256xi32, #tpu.memory_space<vmem>>, vector<1x1x256xi32>,
    %gt3A_487 = vector.broadcast %broadcast_in_dim3A_474 : vector<1x256xi32> to vector<4096x256xi32>
    %gt3A_488 = arith.cmpi sgt, %select_n3A_54, %gt3A_487 : vector<4096x256xi32>
    %jit3A_489 = arith.constant 4096 : i32
    %broadcast_in_dim3A_490 = vector.broadcast %jit3A_489 : i32 to vector<4096x256xi32>
    %select_n3A_491 = arith.select %gt3A_488, %select_n3A_54, %broadcast_in_dim3A_490 : vector<4096x256xi1>, vector<4096x256xi32>
    %reduce_min3A_492 = arith.constant dense<2147483647> : vector<256xi32>
    %reduce_min3A_493 = vector.multi_reduction <minsi>, %select_n3A_491, %reduce_min3A_492 [0] : vector<4096x256xi32> to vector<256xi32>
    %broadcast_in_dim3A_494 = vector.shape_cast %reduce_min3A_493 : vector<256xi32> to vector<1x256xi32>
    %eq3A_495 = arith.constant 4096 : i32
    %eq3A_496 = vector.broadcast %eq3A_495 : i32 to vector<1x256xi32>
    %eq3A_497 = arith.cmpi eq, %broadcast_in_dim3A_494, %eq3A_496 : vector<1x256xi32>
    %select_n3A_498 = arith.select %eq3A_497, %min3A_58, %broadcast_in_dim3A_494 : vector<1x256xi1>, vector<1x256xi32>
    %add3A_499 = vector.broadcast %mul3A_60 : i32 to vector<1x256xi32>
    %add3A_500 = arith.addi %select_n3A_498, %add3A_499 : vector<1x256xi32>
    %swap3A_501 = arith.constant 0 : index
    %swap3A_502 = arith.constant 22 : index
    %swap3A_503 = arith.constant 0 : index
    %swap3A_504 = vector.load %arg8[%swap3A_501, %swap3A_502, %swap3A_503] : memref<1x32x256xi32, #tpu.memory_space<vmem>>, vector<1x1x256xi32>
    %swap3A_505 = vector.shape_cast %swap3A_504 : vector<1x1x256xi32> to vector<1x256xi32>
    %swap3A_506 = vector.shape_cast %add3A_500 : vector<1x256xi32> to vector<1x1x256xi32>
    tpu.vector_store %arg8[%swap3A_501, %swap3A_502, %swap3A_503], %swap3A_506 {strides = array<i32>} : memref<1x32x256xi32, #tpu.memory_space<vmem>>, vector<1x1x256xi32>,
    %gt3A_507 = vector.broadcast %broadcast_in_dim3A_494 : vector<1x256xi32> to vector<4096x256xi32>
    %gt3A_508 = arith.cmpi sgt, %select_n3A_54, %gt3A_507 : vector<4096x256xi32>
    %jit3A_509 = arith.constant 4096 : i32
    %broadcast_in_dim3A_510 = vector.broadcast %jit3A_509 : i32 to vector<4096x256xi32>
    %select_n3A_511 = arith.select %gt3A_508, %select_n3A_54, %broadcast_in_dim3A_510 : vector<4096x256xi1>, vector<4096x256xi32>
    %reduce_min3A_512 = arith.constant dense<2147483647> : vector<256xi32>
    %reduce_min3A_513 = vector.multi_reduction <minsi>, %select_n3A_511, %reduce_min3A_512 [0] : vector<4096x256xi32> to vector<256xi32>
    %broadcast_in_dim3A_514 = vector.shape_cast %reduce_min3A_513 : vector<256xi32> to vector<1x256xi32>
    %eq3A_515 = arith.constant 4096 : i32
    %eq3A_516 = vector.broadcast %eq3A_515 : i32 to vector<1x256xi32>
    %eq3A_517 = arith.cmpi eq, %broadcast_in_dim3A_514, %eq3A_516 : vector<1x256xi32>
    %select_n3A_518 = arith.select %eq3A_517, %min3A_58, %broadcast_in_dim3A_514 : vector<1x256xi1>, vector<1x256xi32>
    %add3A_519 = vector.broadcast %mul3A_60 : i32 to vector<1x256xi32>
    %add3A_520 = arith.addi %select_n3A_518, %add3A_519 : vector<1x256xi32>
    %swap3A_521 = arith.constant 0 : index
    %swap3A_522 = arith.constant 23 : index
    %swap3A_523 = arith.constant 0 : index
    %swap3A_524 = vector.load %arg8[%swap3A_521, %swap3A_522, %swap3A_523] : memref<1x32x256xi32, #tpu.memory_space<vmem>>, vector<1x1x256xi32>
    %swap3A_525 = vector.shape_cast %swap3A_524 : vector<1x1x256xi32> to vector<1x256xi32>
    %swap3A_526 = vector.shape_cast %add3A_520 : vector<1x256xi32> to vector<1x1x256xi32>
    tpu.vector_store %arg8[%swap3A_521, %swap3A_522, %swap3A_523], %swap3A_526 {strides = array<i32>} : memref<1x32x256xi32, #tpu.memory_space<vmem>>, vector<1x1x256xi32>,
    %gt3A_527 = vector.broadcast %broadcast_in_dim3A_514 : vector<1x256xi32> to vector<4096x256xi32>
    %gt3A_528 = arith.cmpi sgt, %select_n3A_54, %gt3A_527 : vector<4096x256xi32>
    %jit3A_529 = arith.constant 4096 : i32
    %broadcast_in_dim3A_530 = vector.broadcast %jit3A_529 : i32 to vector<4096x256xi32>
    %select_n3A_531 = arith.select %gt3A_528, %select_n3A_54, %broadcast_in_dim3A_530 : vector<4096x256xi1>, vector<4096x256xi32>
    %reduce_min3A_532 = arith.constant dense<2147483647> : vector<256xi32>
    %reduce_min3A_533 = vector.multi_reduction <minsi>, %select_n3A_531, %reduce_min3A_532 [0] : vector<4096x256xi32> to vector<256xi32>
    %broadcast_in_dim3A_534 = vector.shape_cast %reduce_min3A_533 : vector<256xi32> to vector<1x256xi32>
    %eq3A_535 = arith.constant 4096 : i32
    %eq3A_536 = vector.broadcast %eq3A_535 : i32 to vector<1x256xi32>
    %eq3A_537 = arith.cmpi eq, %broadcast_in_dim3A_534, %eq3A_536 : vector<1x256xi32>
    %select_n3A_538 = arith.select %eq3A_537, %min3A_58, %broadcast_in_dim3A_534 : vector<1x256xi1>, vector<1x256xi32>
    %add3A_539 = vector.broadcast %mul3A_60 : i32 to vector<1x256xi32>
    %add3A_540 = arith.addi %select_n3A_538, %add3A_539 : vector<1x256xi32>
    %swap3A_541 = arith.constant 0 : index
    %swap3A_542 = arith.constant 24 : index
    %swap3A_543 = arith.constant 0 : index
    %swap3A_544 = vector.load %arg8[%swap3A_541, %swap3A_542, %swap3A_543] : memref<1x32x256xi32, #tpu.memory_space<vmem>>, vector<1x1x256xi32>
    %swap3A_545 = vector.shape_cast %swap3A_544 : vector<1x1x256xi32> to vector<1x256xi32>
    %swap3A_546 = vector.shape_cast %add3A_540 : vector<1x256xi32> to vector<1x1x256xi32>
    tpu.vector_store %arg8[%swap3A_541, %swap3A_542, %swap3A_543], %swap3A_546 {strides = array<i32>} : memref<1x32x256xi32, #tpu.memory_space<vmem>>, vector<1x1x256xi32>,
    %gt3A_547 = vector.broadcast %broadcast_in_dim3A_534 : vector<1x256xi32> to vector<4096x256xi32>
    %gt3A_548 = arith.cmpi sgt, %select_n3A_54, %gt3A_547 : vector<4096x256xi32>
    %jit3A_549 = arith.constant 4096 : i32
    %broadcast_in_dim3A_550 = vector.broadcast %jit3A_549 : i32 to vector<4096x256xi32>
    %select_n3A_551 = arith.select %gt3A_548, %select_n3A_54, %broadcast_in_dim3A_550 : vector<4096x256xi1>, vector<4096x256xi32>
    %reduce_min3A_552 = arith.constant dense<2147483647> : vector<256xi32>
    %reduce_min3A_553 = vector.multi_reduction <minsi>, %select_n3A_551, %reduce_min3A_552 [0] : vector<4096x256xi32> to vector<256xi32>
    %broadcast_in_dim3A_554 = vector.shape_cast %reduce_min3A_553 : vector<256xi32> to vector<1x256xi32>
    %eq3A_555 = arith.constant 4096 : i32
    %eq3A_556 = vector.broadcast %eq3A_555 : i32 to vector<1x256xi32>
    %eq3A_557 = arith.cmpi eq, %broadcast_in_dim3A_554, %eq3A_556 : vector<1x256xi32>
    %select_n3A_558 = arith.select %eq3A_557, %min3A_58, %broadcast_in_dim3A_554 : vector<1x256xi1>, vector<1x256xi32>
    %add3A_559 = vector.broadcast %mul3A_60 : i32 to vector<1x256xi32>
    %add3A_560 = arith.addi %select_n3A_558, %add3A_559 : vector<1x256xi32>
    %swap3A_561 = arith.constant 0 : index
    %swap3A_562 = arith.constant 25 : index
    %swap3A_563 = arith.constant 0 : index
    %swap3A_564 = vector.load %arg8[%swap3A_561, %swap3A_562, %swap3A_563] : memref<1x32x256xi32, #tpu.memory_space<vmem>>, vector<1x1x256xi32>
    %swap3A_565 = vector.shape_cast %swap3A_564 : vector<1x1x256xi32> to vector<1x256xi32>
    %swap3A_566 = vector.shape_cast %add3A_560 : vector<1x256xi32> to vector<1x1x256xi32>
    tpu.vector_store %arg8[%swap3A_561, %swap3A_562, %swap3A_563], %swap3A_566 {strides = array<i32>} : memref<1x32x256xi32, #tpu.memory_space<vmem>>, vector<1x1x256xi32>,
    %gt3A_567 = vector.broadcast %broadcast_in_dim3A_554 : vector<1x256xi32> to vector<4096x256xi32>
    %gt3A_568 = arith.cmpi sgt, %select_n3A_54, %gt3A_567 : vector<4096x256xi32>
    %jit3A_569 = arith.constant 4096 : i32
    %broadcast_in_dim3A_570 = vector.broadcast %jit3A_569 : i32 to vector<4096x256xi32>
    %select_n3A_571 = arith.select %gt3A_568, %select_n3A_54, %broadcast_in_dim3A_570 : vector<4096x256xi1>, vector<4096x256xi32>
    %reduce_min3A_572 = arith.constant dense<2147483647> : vector<256xi32>
    %reduce_min3A_573 = vector.multi_reduction <minsi>, %select_n3A_571, %reduce_min3A_572 [0] : vector<4096x256xi32> to vector<256xi32>
    %broadcast_in_dim3A_574 = vector.shape_cast %reduce_min3A_573 : vector<256xi32> to vector<1x256xi32>
    %eq3A_575 = arith.constant 4096 : i32
    %eq3A_576 = vector.broadcast %eq3A_575 : i32 to vector<1x256xi32>
    %eq3A_577 = arith.cmpi eq, %broadcast_in_dim3A_574, %eq3A_576 : vector<1x256xi32>
    %select_n3A_578 = arith.select %eq3A_577, %min3A_58, %broadcast_in_dim3A_574 : vector<1x256xi1>, vector<1x256xi32>
    %add3A_579 = vector.broadcast %mul3A_60 : i32 to vector<1x256xi32>
    %add3A_580 = arith.addi %select_n3A_578, %add3A_579 : vector<1x256xi32>
    %swap3A_581 = arith.constant 0 : index
    %swap3A_582 = arith.constant 26 : index
    %swap3A_583 = arith.constant 0 : index
    %swap3A_584 = vector.load %arg8[%swap3A_581, %swap3A_582, %swap3A_583] : memref<1x32x256xi32, #tpu.memory_space<vmem>>, vector<1x1x256xi32>
    %swap3A_585 = vector.shape_cast %swap3A_584 : vector<1x1x256xi32> to vector<1x256xi32>
    %swap3A_586 = vector.shape_cast %add3A_580 : vector<1x256xi32> to vector<1x1x256xi32>
    tpu.vector_store %arg8[%swap3A_581, %swap3A_582, %swap3A_583], %swap3A_586 {strides = array<i32>} : memref<1x32x256xi32, #tpu.memory_space<vmem>>, vector<1x1x256xi32>,
    %gt3A_587 = vector.broadcast %broadcast_in_dim3A_574 : vector<1x256xi32> to vector<4096x256xi32>
    %gt3A_588 = arith.cmpi sgt, %select_n3A_54, %gt3A_587 : vector<4096x256xi32>
    %jit3A_589 = arith.constant 4096 : i32
    %broadcast_in_dim3A_590 = vector.broadcast %jit3A_589 : i32 to vector<4096x256xi32>
    %select_n3A_591 = arith.select %gt3A_588, %select_n3A_54, %broadcast_in_dim3A_590 : vector<4096x256xi1>, vector<4096x256xi32>
    %reduce_min3A_592 = arith.constant dense<2147483647> : vector<256xi32>
    %reduce_min3A_593 = vector.multi_reduction <minsi>, %select_n3A_591, %reduce_min3A_592 [0] : vector<4096x256xi32> to vector<256xi32>
    %broadcast_in_dim3A_594 = vector.shape_cast %reduce_min3A_593 : vector<256xi32> to vector<1x256xi32>
    %eq3A_595 = arith.constant 4096 : i32
    %eq3A_596 = vector.broadcast %eq3A_595 : i32 to vector<1x256xi32>
    %eq3A_597 = arith.cmpi eq, %broadcast_in_dim3A_594, %eq3A_596 : vector<1x256xi32>
    %select_n3A_598 = arith.select %eq3A_597, %min3A_58, %broadcast_in_dim3A_594 : vector<1x256xi1>, vector<1x256xi32>
    %add3A_599 = vector.broadcast %mul3A_60 : i32 to vector<1x256xi32>
    %add3A_600 = arith.addi %select_n3A_598, %add3A_599 : vector<1x256xi32>
    %swap3A_601 = arith.constant 0 : index
    %swap3A_602 = arith.constant 27 : index
    %swap3A_603 = arith.constant 0 : index
    %swap3A_604 = vector.load %arg8[%swap3A_601, %swap3A_602, %swap3A_603] : memref<1x32x256xi32, #tpu.memory_space<vmem>>, vector<1x1x256xi32>
    %swap3A_605 = vector.shape_cast %swap3A_604 : vector<1x1x256xi32> to vector<1x256xi32>
    %swap3A_606 = vector.shape_cast %add3A_600 : vector<1x256xi32> to vector<1x1x256xi32>
    tpu.vector_store %arg8[%swap3A_601, %swap3A_602, %swap3A_603], %swap3A_606 {strides = array<i32>} : memref<1x32x256xi32, #tpu.memory_space<vmem>>, vector<1x1x256xi32>,
    %gt3A_607 = vector.broadcast %broadcast_in_dim3A_594 : vector<1x256xi32> to vector<4096x256xi32>
    %gt3A_608 = arith.cmpi sgt, %select_n3A_54, %gt3A_607 : vector<4096x256xi32>
    %jit3A_609 = arith.constant 4096 : i32
    %broadcast_in_dim3A_610 = vector.broadcast %jit3A_609 : i32 to vector<4096x256xi32>
    %select_n3A_611 = arith.select %gt3A_608, %select_n3A_54, %broadcast_in_dim3A_610 : vector<4096x256xi1>, vector<4096x256xi32>
    %reduce_min3A_612 = arith.constant dense<2147483647> : vector<256xi32>
    %reduce_min3A_613 = vector.multi_reduction <minsi>, %select_n3A_611, %reduce_min3A_612 [0] : vector<4096x256xi32> to vector<256xi32>
    %broadcast_in_dim3A_614 = vector.shape_cast %reduce_min3A_613 : vector<256xi32> to vector<1x256xi32>
    %eq3A_615 = arith.constant 4096 : i32
    %eq3A_616 = vector.broadcast %eq3A_615 : i32 to vector<1x256xi32>
    %eq3A_617 = arith.cmpi eq, %broadcast_in_dim3A_614, %eq3A_616 : vector<1x256xi32>
    %select_n3A_618 = arith.select %eq3A_617, %min3A_58, %broadcast_in_dim3A_614 : vector<1x256xi1>, vector<1x256xi32>
    %add3A_619 = vector.broadcast %mul3A_60 : i32 to vector<1x256xi32>
    %add3A_620 = arith.addi %select_n3A_618, %add3A_619 : vector<1x256xi32>
    %swap3A_621 = arith.constant 0 : index
    %swap3A_622 = arith.constant 28 : index
    %swap3A_623 = arith.constant 0 : index
    %swap3A_624 = vector.load %arg8[%swap3A_621, %swap3A_622, %swap3A_623] : memref<1x32x256xi32, #tpu.memory_space<vmem>>, vector<1x1x256xi32>
    %swap3A_625 = vector.shape_cast %swap3A_624 : vector<1x1x256xi32> to vector<1x256xi32>
    %swap3A_626 = vector.shape_cast %add3A_620 : vector<1x256xi32> to vector<1x1x256xi32>
    tpu.vector_store %arg8[%swap3A_621, %swap3A_622, %swap3A_623], %swap3A_626 {strides = array<i32>} : memref<1x32x256xi32, #tpu.memory_space<vmem>>, vector<1x1x256xi32>,
    %gt3A_627 = vector.broadcast %broadcast_in_dim3A_614 : vector<1x256xi32> to vector<4096x256xi32>
    %gt3A_628 = arith.cmpi sgt, %select_n3A_54, %gt3A_627 : vector<4096x256xi32>
    %jit3A_629 = arith.constant 4096 : i32
    %broadcast_in_dim3A_630 = vector.broadcast %jit3A_629 : i32 to vector<4096x256xi32>
    %select_n3A_631 = arith.select %gt3A_628, %select_n3A_54, %broadcast_in_dim3A_630 : vector<4096x256xi1>, vector<4096x256xi32>
    %reduce_min3A_632 = arith.constant dense<2147483647> : vector<256xi32>
    %reduce_min3A_633 = vector.multi_reduction <minsi>, %select_n3A_631, %reduce_min3A_632 [0] : vector<4096x256xi32> to vector<256xi32>
    %broadcast_in_dim3A_634 = vector.shape_cast %reduce_min3A_633 : vector<256xi32> to vector<1x256xi32>
    %eq3A_635 = arith.constant 4096 : i32
    %eq3A_636 = vector.broadcast %eq3A_635 : i32 to vector<1x256xi32>
    %eq3A_637 = arith.cmpi eq, %broadcast_in_dim3A_634, %eq3A_636 : vector<1x256xi32>
    %select_n3A_638 = arith.select %eq3A_637, %min3A_58, %broadcast_in_dim3A_634 : vector<1x256xi1>, vector<1x256xi32>
    %add3A_639 = vector.broadcast %mul3A_60 : i32 to vector<1x256xi32>
    %add3A_640 = arith.addi %select_n3A_638, %add3A_639 : vector<1x256xi32>
    %swap3A_641 = arith.constant 0 : index
    %swap3A_642 = arith.constant 29 : index
    %swap3A_643 = arith.constant 0 : index
    %swap3A_644 = vector.load %arg8[%swap3A_641, %swap3A_642, %swap3A_643] : memref<1x32x256xi32, #tpu.memory_space<vmem>>, vector<1x1x256xi32>
    %swap3A_645 = vector.shape_cast %swap3A_644 : vector<1x1x256xi32> to vector<1x256xi32>
    %swap3A_646 = vector.shape_cast %add3A_640 : vector<1x256xi32> to vector<1x1x256xi32>
    tpu.vector_store %arg8[%swap3A_641, %swap3A_642, %swap3A_643], %swap3A_646 {strides = array<i32>} : memref<1x32x256xi32, #tpu.memory_space<vmem>>, vector<1x1x256xi32>,
    %gt3A_647 = vector.broadcast %broadcast_in_dim3A_634 : vector<1x256xi32> to vector<4096x256xi32>
    %gt3A_648 = arith.cmpi sgt, %select_n3A_54, %gt3A_647 : vector<4096x256xi32>
    %jit3A_649 = arith.constant 4096 : i32
    %broadcast_in_dim3A_650 = vector.broadcast %jit3A_649 : i32 to vector<4096x256xi32>
    %select_n3A_651 = arith.select %gt3A_648, %select_n3A_54, %broadcast_in_dim3A_650 : vector<4096x256xi1>, vector<4096x256xi32>
    %reduce_min3A_652 = arith.constant dense<2147483647> : vector<256xi32>
    %reduce_min3A_653 = vector.multi_reduction <minsi>, %select_n3A_651, %reduce_min3A_652 [0] : vector<4096x256xi32> to vector<256xi32>
    %broadcast_in_dim3A_654 = vector.shape_cast %reduce_min3A_653 : vector<256xi32> to vector<1x256xi32>
    %eq3A_655 = arith.constant 4096 : i32
    %eq3A_656 = vector.broadcast %eq3A_655 : i32 to vector<1x256xi32>
    %eq3A_657 = arith.cmpi eq, %broadcast_in_dim3A_654, %eq3A_656 : vector<1x256xi32>
    %select_n3A_658 = arith.select %eq3A_657, %min3A_58, %broadcast_in_dim3A_654 : vector<1x256xi1>, vector<1x256xi32>
    %add3A_659 = vector.broadcast %mul3A_60 : i32 to vector<1x256xi32>
    %add3A_660 = arith.addi %select_n3A_658, %add3A_659 : vector<1x256xi32>
    %swap3A_661 = arith.constant 0 : index
    %swap3A_662 = arith.constant 30 : index
    %swap3A_663 = arith.constant 0 : index
    %swap3A_664 = vector.load %arg8[%swap3A_661, %swap3A_662, %swap3A_663] : memref<1x32x256xi32, #tpu.memory_space<vmem>>, vector<1x1x256xi32>
    %swap3A_665 = vector.shape_cast %swap3A_664 : vector<1x1x256xi32> to vector<1x256xi32>
    %swap3A_666 = vector.shape_cast %add3A_660 : vector<1x256xi32> to vector<1x1x256xi32>
    tpu.vector_store %arg8[%swap3A_661, %swap3A_662, %swap3A_663], %swap3A_666 {strides = array<i32>} : memref<1x32x256xi32, #tpu.memory_space<vmem>>, vector<1x1x256xi32>,
    %gt3A_667 = vector.broadcast %broadcast_in_dim3A_654 : vector<1x256xi32> to vector<4096x256xi32>
    %gt3A_668 = arith.cmpi sgt, %select_n3A_54, %gt3A_667 : vector<4096x256xi32>
    %jit3A_669 = arith.constant 4096 : i32
    %broadcast_in_dim3A_670 = vector.broadcast %jit3A_669 : i32 to vector<4096x256xi32>
    %select_n3A_671 = arith.select %gt3A_668, %select_n3A_54, %broadcast_in_dim3A_670 : vector<4096x256xi1>, vector<4096x256xi32>
    %reduce_min3A_672 = arith.constant dense<2147483647> : vector<256xi32>
    %reduce_min3A_673 = vector.multi_reduction <minsi>, %select_n3A_671, %reduce_min3A_672 [0] : vector<4096x256xi32> to vector<256xi32>
    %broadcast_in_dim3A_674 = vector.shape_cast %reduce_min3A_673 : vector<256xi32> to vector<1x256xi32>
    %eq3A_675 = arith.constant 4096 : i32
    %eq3A_676 = vector.broadcast %eq3A_675 : i32 to vector<1x256xi32>
    %eq3A_677 = arith.cmpi eq, %broadcast_in_dim3A_674, %eq3A_676 : vector<1x256xi32>
    %select_n3A_678 = arith.select %eq3A_677, %min3A_58, %broadcast_in_dim3A_674 : vector<1x256xi1>, vector<1x256xi32>
    %add3A_679 = vector.broadcast %mul3A_60 : i32 to vector<1x256xi32>
    %add3A_680 = arith.addi %select_n3A_678, %add3A_679 : vector<1x256xi32>
    %swap3A_681 = arith.constant 0 : index
    %swap3A_682 = arith.constant 31 : index
    %swap3A_683 = arith.constant 0 : index
    %swap3A_684 = vector.load %arg8[%swap3A_681, %swap3A_682, %swap3A_683] : memref<1x32x256xi32, #tpu.memory_space<vmem>>, vector<1x1x256xi32>
    %swap3A_685 = vector.shape_cast %swap3A_684 : vector<1x1x256xi32> to vector<1x256xi32>
    %swap3A_686 = vector.shape_cast %add3A_680 : vector<1x256xi32> to vector<1x1x256xi32>
    tpu.vector_store %arg8[%swap3A_681, %swap3A_682, %swap3A_683], %swap3A_686 {strides = array<i32>} : memref<1x32x256xi32, #tpu.memory_space<vmem>>, vector<1x1x256xi32>,
    return
  }
  func.func @transform_0(%arg0: i32, %arg1: i32) -> (i32, i32) {
    %c0_i32 = arith.constant 0 : i32
    %c0_i32_0 = arith.constant 0 : i32
    %c0_i32_1 = arith.constant 0 : i32
    return %c0_i32, %c0_i32_0 : i32, i32
  }
  func.func @transform_1(%arg0: i32, %arg1: i32) -> (i32, i32) {
    %c0_i32 = arith.constant 0 : i32
    %c0_i32_0 = arith.constant 0 : i32
    %c0_i32_1 = arith.constant 0 : i32
    return %c0_i32, %c0_i32_0 : i32, i32
  }
  func.func @transform_2(%arg0: i32, %arg1: i32) -> (i32, i32) {
    %c0_i32 = arith.constant 0 : i32
    %c0_i32_0 = arith.constant 0 : i32
    %c0_i32_1 = arith.constant 0 : i32
    return %c0_i32, %c0_i32_0 : i32, i32
  }
  func.func @transform_3(%arg0: i32, %arg1: i32) -> (i32, i32, i32) {
    %c0_i32 = arith.constant 0 : i32
    %c0_i32_0 = arith.constant 0 : i32
    return %arg0, %c0_i32, %arg1 : i32, i32, i32
  }
  func.func @transform_4(%arg0: i32, %arg1: i32) -> (i32, i32, i32) {
    %c0_i32 = arith.constant 0 : i32
    %c0_i32_0 = arith.constant 0 : i32
    return %arg0, %c0_i32, %arg1 : i32, i32, i32
  }
  func.func @transform_5(%arg0: i32, %arg1: i32) -> (i32, i32, i32) {
    %c0_i32 = arith.constant 0 : i32
    %c0_i32_0 = arith.constant 0 : i32
    return %arg0, %c0_i32, %arg1 : i32, i32, i32
  }
  func.func @transform_6(%arg0: i32, %arg1: i32) -> (i32, i32, i32) {
    %c0_i32 = arith.constant 0 : i32
    %c0_i32_0 = arith.constant 0 : i32
    return %arg0, %c0_i32, %arg1 : i32, i32, i32
  }
}

module attributes {stable_mosaic.version = 14 : i64} {
  func.func @_passA_kernel(%arg0: i32, %arg1: i32, %arg2: memref<1x8x1024x128xf32, #tpu.memory_space<vmem>>, %arg3: memref<1x1024x32xf32, #tpu.memory_space<vmem>>, %arg4: memref<32x32xf32, #tpu.memory_space<vmem>>, %arg5: memref<8x32xf32, #tpu.memory_space<vmem>>, %arg6: memref<1x8x1024x32xf32, #tpu.memory_space<vmem>>) attributes {dimension_semantics = [#tpu.dimension_semantics<arbitrary>, #tpu.dimension_semantics<arbitrary>], iteration_bounds = array<i64: 8, 4>, scalar_prefetch = 0 : i64, scratch_operands = 0 : i64, tpu.core_type = #tpu.core_type<tc>, window_params = [{transform_indices = @transform_0, window_bounds = array<i64: 1, 8, 1024, 128>}, {transform_indices = @transform_1, window_bounds = array<i64: 1, 1024, 32>}, {pipeline_mode = #tpu.pipeline_mode<synchronous>, transform_indices = @transform_2, window_bounds = array<i64: 32, 32>}, {pipeline_mode = #tpu.pipeline_mode<synchronous>, transform_indices = @transform_3, window_bounds = array<i64: 8, 32>}, {transform_indices = @transform_4, window_bounds = array<i64: 1, 8, 1024, 32>}]} {
    %get3A = arith.constant 0 : index
    %get3A_0 = arith.constant 0 : index
    %get3A_1 = arith.constant 0 : index
    %get3A_2 = arith.constant 0 : index
    %get3A_3 = vector.load %arg2[%get3A, %get3A_0, %get3A_1, %get3A_2] : memref<1x8x1024x128xf32, #tpu.memory_space<vmem>>, vector<1x8x1024x128xf32>
    %get3A_4 = vector.shape_cast %get3A_3 : vector<1x8x1024x128xf32> to vector<8x1024x128xf32>
    %slice3A = vector.extract_strided_slice %get3A_4 {offsets = [0, 0, 0], sizes = [8, 1024, 32], strides = [1, 1, 1]} : vector<8x1024x128xf32> to vector<8x1024x32xf32>
    %get3A_5 = arith.constant 0 : index
    %get3A_6 = arith.constant 0 : index
    %get3A_7 = arith.constant 0 : index
    %get3A_8 = vector.load %arg3[%get3A_5, %get3A_6, %get3A_7] : memref<1x1024x32xf32, #tpu.memory_space<vmem>>, vector<1x1024x32xf32>
    %sub3A = vector.broadcast %get3A_8 : vector<1x1024x32xf32> to vector<8x1024x32xf32>
    %sub3A_9 = arith.subf %slice3A, %sub3A : vector<8x1024x32xf32>
    %swap3A = arith.constant 0 : index
    %swap3A_10 = arith.constant 0 : index
    %swap3A_11 = arith.constant 0 : index
    %swap3A_12 = arith.constant 0 : index
    %swap3A_13 = vector.load %arg6[%swap3A, %swap3A_10, %swap3A_11, %swap3A_12] : memref<1x8x1024x32xf32, #tpu.memory_space<vmem>>, vector<1x8x1024x32xf32>
    %swap3A_14 = vector.shape_cast %swap3A_13 : vector<1x8x1024x32xf32> to vector<8x1024x32xf32>
    %swap3A_15 = vector.shape_cast %sub3A_9 : vector<8x1024x32xf32> to vector<1x8x1024x32xf32>
    tpu.vector_store %arg6[%swap3A, %swap3A_10, %swap3A_11, %swap3A_12], %swap3A_15 {strides = array<i32>} : memref<1x8x1024x32xf32, #tpu.memory_space<vmem>>, vector<1x8x1024x32xf32>,
    %reshape3A = vector.shape_cast %sub3A_9 : vector<8x1024x32xf32> to vector<8192x32xf32>
    %get3A_16 = arith.constant 0 : index
    %get3A_17 = arith.constant 0 : index
    %get3A_18 = vector.load %arg4[%get3A_16, %get3A_17] : memref<32x32xf32, #tpu.memory_space<vmem>>, vector<32x32xf32>
    %dot_general3A = arith.constant dense<0.000000e+00> : vector<8192x32xf32>
    %dot_general3A_19 = tpu.matmul %reshape3A, %get3A_18, %dot_general3A {dimension_numbers = #tpu.dot_dimension_numbers<[1], [0], [0], [1], [0, 0, 1, 1], [], []>, transpose_lhs_hint = false} : vector<8192x32xf32>, vector<32x32xf32>, vector<8192x32xf32> -> vector<8192x32xf32>
    %eq3A = arith.constant 0 : i32
    %eq3A_20 = arith.cmpi eq, %arg0, %eq3A : i32
    %eq3A_21 = arith.constant 0 : i32
    %eq3A_22 = arith.cmpi eq, %arg1, %eq3A_21 : i32
    %and3A = arith.andi %eq3A_20, %eq3A_22 : i1
    %reduce_sum3A = arith.constant dense<0.000000e+00> : vector<32xf32>
    %reduce_sum3A_23 = vector.multi_reduction <add>, %dot_general3A_19, %reduce_sum3A [0] : vector<8192x32xf32> to vector<32xf32>
    %broadcast_in_dim3A = vector.shape_cast %reduce_sum3A_23 : vector<32xf32> to vector<1x32xf32>
    %mul3A = arith.mulf %dot_general3A_19, %dot_general3A_19 : vector<8192x32xf32>
    %reduce_sum3A_24 = arith.constant dense<0.000000e+00> : vector<32xf32>
    %reduce_sum3A_25 = vector.multi_reduction <add>, %mul3A, %reduce_sum3A_24 [0] : vector<8192x32xf32> to vector<32xf32>
    %broadcast_in_dim3A_26 = vector.shape_cast %reduce_sum3A_25 : vector<32xf32> to vector<1x32xf32>
    %convert_element_type3A = arith.extui %and3A : i1 to i32
    %cond3A = arith.constant 0 : i32
    %cond3A_27 = arith.cmpi ne, %convert_element_type3A, %cond3A : i32
    scf.if %cond3A_27 {
      %broadcast_in_dim3A_41 = arith.constant 0.000000e+00 : f32
      %broadcast_in_dim3A_42 = vector.broadcast %broadcast_in_dim3A_41 : f32 to vector<8x32xf32>
      %swap3A_43 = arith.constant 0 : index
      %swap3A_44 = arith.constant 0 : index
      %swap3A_45 = vector.load %arg5[%swap3A_43, %swap3A_44] : memref<8x32xf32, #tpu.memory_space<vmem>>, vector<8x32xf32>
      tpu.vector_store %arg5[%swap3A_43, %swap3A_44], %broadcast_in_dim3A_42 {strides = array<i32>} : memref<8x32xf32, #tpu.memory_space<vmem>>, vector<8x32xf32>,
    } else {
    }
    %get3A_28 = arith.constant 0 : index
    %get3A_29 = arith.constant 0 : index
    %get3A_30 = vector.load %arg5[%get3A_28, %get3A_29] : memref<8x32xf32, #tpu.memory_space<vmem>>, vector<1x32xf32>
    %add3A = arith.addf %get3A_30, %broadcast_in_dim3A : vector<1x32xf32>
    %swap3A_31 = arith.constant 0 : index
    %swap3A_32 = arith.constant 0 : index
    %swap3A_33 = vector.load %arg5[%swap3A_31, %swap3A_32] : memref<8x32xf32, #tpu.memory_space<vmem>>, vector<1x32xf32>
    tpu.vector_store %arg5[%swap3A_31, %swap3A_32], %add3A {strides = array<i32>} : memref<8x32xf32, #tpu.memory_space<vmem>>, vector<1x32xf32>,
    %get3A_34 = arith.constant 1 : index
    %get3A_35 = arith.constant 0 : index
    %get3A_36 = vector.load %arg5[%get3A_34, %get3A_35] : memref<8x32xf32, #tpu.memory_space<vmem>>, vector<1x32xf32>
    %add3A_37 = arith.addf %get3A_36, %broadcast_in_dim3A_26 : vector<1x32xf32>
    %swap3A_38 = arith.constant 1 : index
    %swap3A_39 = arith.constant 0 : index
    %swap3A_40 = vector.load %arg5[%swap3A_38, %swap3A_39] : memref<8x32xf32, #tpu.memory_space<vmem>>, vector<1x32xf32>
    tpu.vector_store %arg5[%swap3A_38, %swap3A_39], %add3A_37 {strides = array<i32>} : memref<8x32xf32, #tpu.memory_space<vmem>>, vector<1x32xf32>,
    return
  }
  func.func @transform_0(%arg0: i32, %arg1: i32) -> (i32, i32, i32, i32) {
    %c0_i32 = arith.constant 0 : i32
    %c0_i32_0 = arith.constant 0 : i32
    %c0_i32_1 = arith.constant 0 : i32
    return %arg0, %arg1, %c0_i32, %c0_i32_0 : i32, i32, i32, i32
  }
  func.func @transform_1(%arg0: i32, %arg1: i32) -> (i32, i32, i32) {
    %c0_i32 = arith.constant 0 : i32
    %c0_i32_0 = arith.constant 0 : i32
    %c0_i32_1 = arith.constant 0 : i32
    return %arg0, %c0_i32, %c0_i32_0 : i32, i32, i32
  }
  func.func @transform_2(%arg0: i32, %arg1: i32) -> (i32, i32) {
    %c0_i32 = arith.constant 0 : i32
    %c0_i32_0 = arith.constant 0 : i32
    %c0_i32_1 = arith.constant 0 : i32
    return %c0_i32, %c0_i32_0 : i32, i32
  }
  func.func @transform_3(%arg0: i32, %arg1: i32) -> (i32, i32) {
    %c0_i32 = arith.constant 0 : i32
    %c0_i32_0 = arith.constant 0 : i32
    %c0_i32_1 = arith.constant 0 : i32
    return %c0_i32, %c0_i32_0 : i32, i32
  }
  func.func @transform_4(%arg0: i32, %arg1: i32) -> (i32, i32, i32, i32) {
    %c0_i32 = arith.constant 0 : i32
    %c0_i32_0 = arith.constant 0 : i32
    %c0_i32_1 = arith.constant 0 : i32
    return %arg0, %arg1, %c0_i32, %c0_i32_0 : i32, i32, i32, i32
  }
}

module attributes {stable_mosaic.version = 14 : i64} {
  func.func @_passB_kernel(%arg0: i32, %arg1: i32, %arg2: memref<1x8x1024x32xf32, #tpu.memory_space<vmem>>, %arg3: memref<32x32xf32, #tpu.memory_space<vmem>>, %arg4: memref<2x32xf32, #tpu.memory_space<vmem>>, %arg5: memref<32x32xf32, #tpu.memory_space<vmem>>, %arg6: memref<8x32xf32, #tpu.memory_space<vmem>>) attributes {dimension_semantics = [#tpu.dimension_semantics<arbitrary>, #tpu.dimension_semantics<arbitrary>], iteration_bounds = array<i64: 8, 4>, scalar_prefetch = 0 : i64, scratch_operands = 0 : i64, tpu.core_type = #tpu.core_type<tc>, window_params = [{transform_indices = @transform_0, window_bounds = array<i64: 1, 8, 1024, 32>}, {pipeline_mode = #tpu.pipeline_mode<synchronous>, transform_indices = @transform_1, window_bounds = array<i64: 32, 32>}, {pipeline_mode = #tpu.pipeline_mode<synchronous>, transform_indices = @transform_2, window_bounds = array<i64: 2, 32>}, {pipeline_mode = #tpu.pipeline_mode<synchronous>, transform_indices = @transform_3, window_bounds = array<i64: 32, 32>}, {pipeline_mode = #tpu.pipeline_mode<synchronous>, transform_indices = @transform_4, window_bounds = array<i64: 8, 32>}]} {
    %get3A = arith.constant 0 : index
    %get3A_0 = arith.constant 0 : index
    %get3A_1 = arith.constant 0 : index
    %get3A_2 = arith.constant 0 : index
    %get3A_3 = vector.load %arg2[%get3A, %get3A_0, %get3A_1, %get3A_2] : memref<1x8x1024x32xf32, #tpu.memory_space<vmem>>, vector<1x8x1024x32xf32>
    %get3A_4 = vector.shape_cast %get3A_3 : vector<1x8x1024x32xf32> to vector<8x1024x32xf32>
    %reshape3A = vector.shape_cast %get3A_4 : vector<8x1024x32xf32> to vector<8192x32xf32>
    %get3A_5 = arith.constant 0 : index
    %get3A_6 = arith.constant 0 : index
    %get3A_7 = vector.load %arg3[%get3A_5, %get3A_6] : memref<32x32xf32, #tpu.memory_space<vmem>>, vector<32x32xf32>
    %dot_general3A = arith.constant dense<0.000000e+00> : vector<8192x32xf32>
    %dot_general3A_8 = tpu.matmul %reshape3A, %get3A_7, %dot_general3A {dimension_numbers = #tpu.dot_dimension_numbers<[1], [0], [0], [1], [0, 0, 1, 1], [], []>, transpose_lhs_hint = false} : vector<8192x32xf32>, vector<32x32xf32>, vector<8192x32xf32> -> vector<8192x32xf32>
    %get3A_9 = arith.constant 0 : index
    %get3A_10 = arith.constant 0 : index
    %get3A_11 = vector.load %arg4[%get3A_9, %get3A_10] : memref<2x32xf32, #tpu.memory_space<vmem>>, vector<1x32xf32>
    %mul3A = vector.broadcast %get3A_11 : vector<1x32xf32> to vector<8192x32xf32>
    %mul3A_12 = arith.mulf %dot_general3A_8, %mul3A : vector<8192x32xf32>
    %get3A_13 = arith.constant 1 : index
    %get3A_14 = arith.constant 0 : index
    %get3A_15 = vector.load %arg4[%get3A_13, %get3A_14] : memref<2x32xf32, #tpu.memory_space<vmem>>, vector<1x32xf32>
    %add3A = vector.broadcast %get3A_15 : vector<1x32xf32> to vector<8192x32xf32>
    %add3A_16 = arith.addf %mul3A_12, %add3A : vector<8192x32xf32>
    %max3A = arith.constant 0.000000e+00 : f32
    %max3A_17 = vector.broadcast %max3A : f32 to vector<8192x32xf32>
    %max3A_18 = arith.maximumf %add3A_16, %max3A_17 : vector<8192x32xf32>
    %get3A_19 = arith.constant 0 : index
    %get3A_20 = arith.constant 0 : index
    %get3A_21 = vector.load %arg5[%get3A_19, %get3A_20] : memref<32x32xf32, #tpu.memory_space<vmem>>, vector<32x32xf32>
    %dot_general3A_22 = arith.constant dense<0.000000e+00> : vector<8192x32xf32>
    %dot_general3A_23 = tpu.matmul %max3A_18, %get3A_21, %dot_general3A_22 {dimension_numbers = #tpu.dot_dimension_numbers<[1], [0], [0], [1], [0, 0, 1, 1], [], []>, transpose_lhs_hint = false} : vector<8192x32xf32>, vector<32x32xf32>, vector<8192x32xf32> -> vector<8192x32xf32>
    %eq3A = arith.constant 0 : i32
    %eq3A_24 = arith.cmpi eq, %arg0, %eq3A : i32
    %eq3A_25 = arith.constant 0 : i32
    %eq3A_26 = arith.cmpi eq, %arg1, %eq3A_25 : i32
    %and3A = arith.andi %eq3A_24, %eq3A_26 : i1
    %reduce_sum3A = arith.constant dense<0.000000e+00> : vector<32xf32>
    %reduce_sum3A_27 = vector.multi_reduction <add>, %dot_general3A_23, %reduce_sum3A [0] : vector<8192x32xf32> to vector<32xf32>
    %broadcast_in_dim3A = vector.shape_cast %reduce_sum3A_27 : vector<32xf32> to vector<1x32xf32>
    %mul3A_28 = arith.mulf %dot_general3A_23, %dot_general3A_23 : vector<8192x32xf32>
    %reduce_sum3A_29 = arith.constant dense<0.000000e+00> : vector<32xf32>
    %reduce_sum3A_30 = vector.multi_reduction <add>, %mul3A_28, %reduce_sum3A_29 [0] : vector<8192x32xf32> to vector<32xf32>
    %broadcast_in_dim3A_31 = vector.shape_cast %reduce_sum3A_30 : vector<32xf32> to vector<1x32xf32>
    %convert_element_type3A = arith.extui %and3A : i1 to i32
    %cond3A = arith.constant 0 : i32
    %cond3A_32 = arith.cmpi ne, %convert_element_type3A, %cond3A : i32
    scf.if %cond3A_32 {
      %broadcast_in_dim3A_46 = arith.constant 0.000000e+00 : f32
      %broadcast_in_dim3A_47 = vector.broadcast %broadcast_in_dim3A_46 : f32 to vector<8x32xf32>
      %swap3A_48 = arith.constant 0 : index
      %swap3A_49 = arith.constant 0 : index
      %swap3A_50 = vector.load %arg6[%swap3A_48, %swap3A_49] : memref<8x32xf32, #tpu.memory_space<vmem>>, vector<8x32xf32>
      tpu.vector_store %arg6[%swap3A_48, %swap3A_49], %broadcast_in_dim3A_47 {strides = array<i32>} : memref<8x32xf32, #tpu.memory_space<vmem>>, vector<8x32xf32>,
    } else {
    }
    %get3A_33 = arith.constant 0 : index
    %get3A_34 = arith.constant 0 : index
    %get3A_35 = vector.load %arg6[%get3A_33, %get3A_34] : memref<8x32xf32, #tpu.memory_space<vmem>>, vector<1x32xf32>
    %add3A_36 = arith.addf %get3A_35, %broadcast_in_dim3A : vector<1x32xf32>
    %swap3A = arith.constant 0 : index
    %swap3A_37 = arith.constant 0 : index
    %swap3A_38 = vector.load %arg6[%swap3A, %swap3A_37] : memref<8x32xf32, #tpu.memory_space<vmem>>, vector<1x32xf32>
    tpu.vector_store %arg6[%swap3A, %swap3A_37], %add3A_36 {strides = array<i32>} : memref<8x32xf32, #tpu.memory_space<vmem>>, vector<1x32xf32>,
    %get3A_39 = arith.constant 1 : index
    %get3A_40 = arith.constant 0 : index
    %get3A_41 = vector.load %arg6[%get3A_39, %get3A_40] : memref<8x32xf32, #tpu.memory_space<vmem>>, vector<1x32xf32>
    %add3A_42 = arith.addf %get3A_41, %broadcast_in_dim3A_31 : vector<1x32xf32>
    %swap3A_43 = arith.constant 1 : index
    %swap3A_44 = arith.constant 0 : index
    %swap3A_45 = vector.load %arg6[%swap3A_43, %swap3A_44] : memref<8x32xf32, #tpu.memory_space<vmem>>, vector<1x32xf32>
    tpu.vector_store %arg6[%swap3A_43, %swap3A_44], %add3A_42 {strides = array<i32>} : memref<8x32xf32, #tpu.memory_space<vmem>>, vector<1x32xf32>,
    return
  }
  func.func @transform_0(%arg0: i32, %arg1: i32) -> (i32, i32, i32, i32) {
    %c0_i32 = arith.constant 0 : i32
    %c0_i32_0 = arith.constant 0 : i32
    %c0_i32_1 = arith.constant 0 : i32
    return %arg0, %arg1, %c0_i32, %c0_i32_0 : i32, i32, i32, i32
  }
  func.func @transform_1(%arg0: i32, %arg1: i32) -> (i32, i32) {
    %c0_i32 = arith.constant 0 : i32
    %c0_i32_0 = arith.constant 0 : i32
    %c0_i32_1 = arith.constant 0 : i32
    return %c0_i32, %c0_i32_0 : i32, i32
  }
  func.func @transform_2(%arg0: i32, %arg1: i32) -> (i32, i32) {
    %c0_i32 = arith.constant 0 : i32
    %c0_i32_0 = arith.constant 0 : i32
    %c0_i32_1 = arith.constant 0 : i32
    return %c0_i32, %c0_i32_0 : i32, i32
  }
  func.func @transform_3(%arg0: i32, %arg1: i32) -> (i32, i32) {
    %c0_i32 = arith.constant 0 : i32
    %c0_i32_0 = arith.constant 0 : i32
    %c0_i32_1 = arith.constant 0 : i32
    return %c0_i32, %c0_i32_0 : i32, i32
  }
  func.func @transform_4(%arg0: i32, %arg1: i32) -> (i32, i32) {
    %c0_i32 = arith.constant 0 : i32
    %c0_i32_0 = arith.constant 0 : i32
    %c0_i32_1 = arith.constant 0 : i32
    return %c0_i32, %c0_i32_0 : i32, i32
  }
}

module attributes {stable_mosaic.version = 14 : i64} {
  func.func @_passC_kernel(%arg0: i32, %arg1: i32, %arg2: memref<1x8x1024x32xf32, #tpu.memory_space<vmem>>, %arg3: memref<32x32xf32, #tpu.memory_space<vmem>>, %arg4: memref<2x32xf32, #tpu.memory_space<vmem>>, %arg5: memref<32x32xf32, #tpu.memory_space<vmem>>, %arg6: memref<2x32xf32, #tpu.memory_space<vmem>>, %arg7: memref<32x64xf32, #tpu.memory_space<vmem>>, %arg8: memref<8x64xf32, #tpu.memory_space<vmem>>) attributes {dimension_semantics = [#tpu.dimension_semantics<arbitrary>, #tpu.dimension_semantics<arbitrary>], iteration_bounds = array<i64: 8, 4>, scalar_prefetch = 0 : i64, scratch_operands = 0 : i64, tpu.core_type = #tpu.core_type<tc>, window_params = [{transform_indices = @transform_0, window_bounds = array<i64: 1, 8, 1024, 32>}, {pipeline_mode = #tpu.pipeline_mode<synchronous>, transform_indices = @transform_1, window_bounds = array<i64: 32, 32>}, {pipeline_mode = #tpu.pipeline_mode<synchronous>, transform_indices = @transform_2, window_bounds = array<i64: 2, 32>}, {pipeline_mode = #tpu.pipeline_mode<synchronous>, transform_indices = @transform_3, window_bounds = array<i64: 32, 32>}, {pipeline_mode = #tpu.pipeline_mode<synchronous>, transform_indices = @transform_4, window_bounds = array<i64: 2, 32>}, {pipeline_mode = #tpu.pipeline_mode<synchronous>, transform_indices = @transform_5, window_bounds = array<i64: 32, 64>}, {pipeline_mode = #tpu.pipeline_mode<synchronous>, transform_indices = @transform_6, window_bounds = array<i64: 8, 64>}]} {
    %get3A = arith.constant 0 : index
    %get3A_0 = arith.constant 0 : index
    %get3A_1 = arith.constant 0 : index
    %get3A_2 = arith.constant 0 : index
    %get3A_3 = vector.load %arg2[%get3A, %get3A_0, %get3A_1, %get3A_2] : memref<1x8x1024x32xf32, #tpu.memory_space<vmem>>, vector<1x8x1024x32xf32>
    %get3A_4 = vector.shape_cast %get3A_3 : vector<1x8x1024x32xf32> to vector<8x1024x32xf32>
    %reshape3A = vector.shape_cast %get3A_4 : vector<8x1024x32xf32> to vector<8192x32xf32>
    %get3A_5 = arith.constant 0 : index
    %get3A_6 = arith.constant 0 : index
    %get3A_7 = vector.load %arg3[%get3A_5, %get3A_6] : memref<32x32xf32, #tpu.memory_space<vmem>>, vector<32x32xf32>
    %dot_general3A = arith.constant dense<0.000000e+00> : vector<8192x32xf32>
    %dot_general3A_8 = tpu.matmul %reshape3A, %get3A_7, %dot_general3A {dimension_numbers = #tpu.dot_dimension_numbers<[1], [0], [0], [1], [0, 0, 1, 1], [], []>, transpose_lhs_hint = false} : vector<8192x32xf32>, vector<32x32xf32>, vector<8192x32xf32> -> vector<8192x32xf32>
    %get3A_9 = arith.constant 0 : index
    %get3A_10 = arith.constant 0 : index
    %get3A_11 = vector.load %arg4[%get3A_9, %get3A_10] : memref<2x32xf32, #tpu.memory_space<vmem>>, vector<1x32xf32>
    %mul3A = vector.broadcast %get3A_11 : vector<1x32xf32> to vector<8192x32xf32>
    %mul3A_12 = arith.mulf %dot_general3A_8, %mul3A : vector<8192x32xf32>
    %get3A_13 = arith.constant 1 : index
    %get3A_14 = arith.constant 0 : index
    %get3A_15 = vector.load %arg4[%get3A_13, %get3A_14] : memref<2x32xf32, #tpu.memory_space<vmem>>, vector<1x32xf32>
    %add3A = vector.broadcast %get3A_15 : vector<1x32xf32> to vector<8192x32xf32>
    %add3A_16 = arith.addf %mul3A_12, %add3A : vector<8192x32xf32>
    %max3A = arith.constant 0.000000e+00 : f32
    %max3A_17 = vector.broadcast %max3A : f32 to vector<8192x32xf32>
    %max3A_18 = arith.maximumf %add3A_16, %max3A_17 : vector<8192x32xf32>
    %get3A_19 = arith.constant 0 : index
    %get3A_20 = arith.constant 0 : index
    %get3A_21 = vector.load %arg5[%get3A_19, %get3A_20] : memref<32x32xf32, #tpu.memory_space<vmem>>, vector<32x32xf32>
    %dot_general3A_22 = arith.constant dense<0.000000e+00> : vector<8192x32xf32>
    %dot_general3A_23 = tpu.matmul %max3A_18, %get3A_21, %dot_general3A_22 {dimension_numbers = #tpu.dot_dimension_numbers<[1], [0], [0], [1], [0, 0, 1, 1], [], []>, transpose_lhs_hint = false} : vector<8192x32xf32>, vector<32x32xf32>, vector<8192x32xf32> -> vector<8192x32xf32>
    %get3A_24 = arith.constant 0 : index
    %get3A_25 = arith.constant 0 : index
    %get3A_26 = vector.load %arg6[%get3A_24, %get3A_25] : memref<2x32xf32, #tpu.memory_space<vmem>>, vector<1x32xf32>
    %mul3A_27 = vector.broadcast %get3A_26 : vector<1x32xf32> to vector<8192x32xf32>
    %mul3A_28 = arith.mulf %dot_general3A_23, %mul3A_27 : vector<8192x32xf32>
    %get3A_29 = arith.constant 1 : index
    %get3A_30 = arith.constant 0 : index
    %get3A_31 = vector.load %arg6[%get3A_29, %get3A_30] : memref<2x32xf32, #tpu.memory_space<vmem>>, vector<1x32xf32>
    %add3A_32 = vector.broadcast %get3A_31 : vector<1x32xf32> to vector<8192x32xf32>
    %add3A_33 = arith.addf %mul3A_28, %add3A_32 : vector<8192x32xf32>
    %max3A_34 = arith.constant 0.000000e+00 : f32
    %max3A_35 = vector.broadcast %max3A_34 : f32 to vector<8192x32xf32>
    %max3A_36 = arith.maximumf %add3A_33, %max3A_35 : vector<8192x32xf32>
    %get3A_37 = arith.constant 0 : index
    %get3A_38 = arith.constant 0 : index
    %get3A_39 = vector.load %arg7[%get3A_37, %get3A_38] : memref<32x64xf32, #tpu.memory_space<vmem>>, vector<32x64xf32>
    %dot_general3A_40 = arith.constant dense<0.000000e+00> : vector<8192x64xf32>
    %dot_general3A_41 = tpu.matmul %max3A_36, %get3A_39, %dot_general3A_40 {dimension_numbers = #tpu.dot_dimension_numbers<[1], [0], [0], [1], [0, 0, 1, 1], [], []>, transpose_lhs_hint = false} : vector<8192x32xf32>, vector<32x64xf32>, vector<8192x64xf32> -> vector<8192x64xf32>
    %eq3A = arith.constant 0 : i32
    %eq3A_42 = arith.cmpi eq, %arg0, %eq3A : i32
    %eq3A_43 = arith.constant 0 : i32
    %eq3A_44 = arith.cmpi eq, %arg1, %eq3A_43 : i32
    %and3A = arith.andi %eq3A_42, %eq3A_44 : i1
    %reduce_sum3A = arith.constant dense<0.000000e+00> : vector<64xf32>
    %reduce_sum3A_45 = vector.multi_reduction <add>, %dot_general3A_41, %reduce_sum3A [0] : vector<8192x64xf32> to vector<64xf32>
    %broadcast_in_dim3A = vector.shape_cast %reduce_sum3A_45 : vector<64xf32> to vector<1x64xf32>
    %mul3A_46 = arith.mulf %dot_general3A_41, %dot_general3A_41 : vector<8192x64xf32>
    %reduce_sum3A_47 = arith.constant dense<0.000000e+00> : vector<64xf32>
    %reduce_sum3A_48 = vector.multi_reduction <add>, %mul3A_46, %reduce_sum3A_47 [0] : vector<8192x64xf32> to vector<64xf32>
    %broadcast_in_dim3A_49 = vector.shape_cast %reduce_sum3A_48 : vector<64xf32> to vector<1x64xf32>
    %convert_element_type3A = arith.extui %and3A : i1 to i32
    %cond3A = arith.constant 0 : i32
    %cond3A_50 = arith.cmpi ne, %convert_element_type3A, %cond3A : i32
    scf.if %cond3A_50 {
      %broadcast_in_dim3A_64 = arith.constant 0.000000e+00 : f32
      %broadcast_in_dim3A_65 = vector.broadcast %broadcast_in_dim3A_64 : f32 to vector<8x64xf32>
      %swap3A_66 = arith.constant 0 : index
      %swap3A_67 = arith.constant 0 : index
      %swap3A_68 = vector.load %arg8[%swap3A_66, %swap3A_67] : memref<8x64xf32, #tpu.memory_space<vmem>>, vector<8x64xf32>
      tpu.vector_store %arg8[%swap3A_66, %swap3A_67], %broadcast_in_dim3A_65 {strides = array<i32>} : memref<8x64xf32, #tpu.memory_space<vmem>>, vector<8x64xf32>,
    } else {
    }
    %get3A_51 = arith.constant 0 : index
    %get3A_52 = arith.constant 0 : index
    %get3A_53 = vector.load %arg8[%get3A_51, %get3A_52] : memref<8x64xf32, #tpu.memory_space<vmem>>, vector<1x64xf32>
    %add3A_54 = arith.addf %get3A_53, %broadcast_in_dim3A : vector<1x64xf32>
    %swap3A = arith.constant 0 : index
    %swap3A_55 = arith.constant 0 : index
    %swap3A_56 = vector.load %arg8[%swap3A, %swap3A_55] : memref<8x64xf32, #tpu.memory_space<vmem>>, vector<1x64xf32>
    tpu.vector_store %arg8[%swap3A, %swap3A_55], %add3A_54 {strides = array<i32>} : memref<8x64xf32, #tpu.memory_space<vmem>>, vector<1x64xf32>,
    %get3A_57 = arith.constant 1 : index
    %get3A_58 = arith.constant 0 : index
    %get3A_59 = vector.load %arg8[%get3A_57, %get3A_58] : memref<8x64xf32, #tpu.memory_space<vmem>>, vector<1x64xf32>
    %add3A_60 = arith.addf %get3A_59, %broadcast_in_dim3A_49 : vector<1x64xf32>
    %swap3A_61 = arith.constant 1 : index
    %swap3A_62 = arith.constant 0 : index
    %swap3A_63 = vector.load %arg8[%swap3A_61, %swap3A_62] : memref<8x64xf32, #tpu.memory_space<vmem>>, vector<1x64xf32>
    tpu.vector_store %arg8[%swap3A_61, %swap3A_62], %add3A_60 {strides = array<i32>} : memref<8x64xf32, #tpu.memory_space<vmem>>, vector<1x64xf32>,
    return
  }
  func.func @transform_0(%arg0: i32, %arg1: i32) -> (i32, i32, i32, i32) {
    %c0_i32 = arith.constant 0 : i32
    %c0_i32_0 = arith.constant 0 : i32
    %c0_i32_1 = arith.constant 0 : i32
    return %arg0, %arg1, %c0_i32, %c0_i32_0 : i32, i32, i32, i32
  }
  func.func @transform_1(%arg0: i32, %arg1: i32) -> (i32, i32) {
    %c0_i32 = arith.constant 0 : i32
    %c0_i32_0 = arith.constant 0 : i32
    %c0_i32_1 = arith.constant 0 : i32
    return %c0_i32, %c0_i32_0 : i32, i32
  }
  func.func @transform_2(%arg0: i32, %arg1: i32) -> (i32, i32) {
    %c0_i32 = arith.constant 0 : i32
    %c0_i32_0 = arith.constant 0 : i32
    %c0_i32_1 = arith.constant 0 : i32
    return %c0_i32, %c0_i32_0 : i32, i32
  }
  func.func @transform_3(%arg0: i32, %arg1: i32) -> (i32, i32) {
    %c0_i32 = arith.constant 0 : i32
    %c0_i32_0 = arith.constant 0 : i32
    %c0_i32_1 = arith.constant 0 : i32
    return %c0_i32, %c0_i32_0 : i32, i32
  }
  func.func @transform_4(%arg0: i32, %arg1: i32) -> (i32, i32) {
    %c0_i32 = arith.constant 0 : i32
    %c0_i32_0 = arith.constant 0 : i32
    %c0_i32_1 = arith.constant 0 : i32
    return %c0_i32, %c0_i32_0 : i32, i32
  }
  func.func @transform_5(%arg0: i32, %arg1: i32) -> (i32, i32) {
    %c0_i32 = arith.constant 0 : i32
    %c0_i32_0 = arith.constant 0 : i32
    %c0_i32_1 = arith.constant 0 : i32
    return %c0_i32, %c0_i32_0 : i32, i32
  }
  func.func @transform_6(%arg0: i32, %arg1: i32) -> (i32, i32) {
    %c0_i32 = arith.constant 0 : i32
    %c0_i32_0 = arith.constant 0 : i32
    %c0_i32_1 = arith.constant 0 : i32
    return %c0_i32, %c0_i32_0 : i32, i32
  }
}

module attributes {stable_mosaic.version = 14 : i64} {
  func.func @_passD_kernel(%arg0: i32, %arg1: i32, %arg2: memref<1x8x1024x32xf32, #tpu.memory_space<vmem>>, %arg3: memref<32x32xf32, #tpu.memory_space<vmem>>, %arg4: memref<2x32xf32, #tpu.memory_space<vmem>>, %arg5: memref<32x32xf32, #tpu.memory_space<vmem>>, %arg6: memref<2x32xf32, #tpu.memory_space<vmem>>, %arg7: memref<32x64xf32, #tpu.memory_space<vmem>>, %arg8: memref<2x64xf32, #tpu.memory_space<vmem>>, %arg9: memref<1x1024x64xf32, #tpu.memory_space<vmem>>) attributes {dimension_semantics = [#tpu.dimension_semantics<arbitrary>, #tpu.dimension_semantics<arbitrary>], iteration_bounds = array<i64: 8, 4>, scalar_prefetch = 0 : i64, scratch_operands = 0 : i64, tpu.core_type = #tpu.core_type<tc>, window_params = [{transform_indices = @transform_0, window_bounds = array<i64: 1, 8, 1024, 32>}, {pipeline_mode = #tpu.pipeline_mode<synchronous>, transform_indices = @transform_1, window_bounds = array<i64: 32, 32>}, {pipeline_mode = #tpu.pipeline_mode<synchronous>, transform_indices = @transform_2, window_bounds = array<i64: 2, 32>}, {pipeline_mode = #tpu.pipeline_mode<synchronous>, transform_indices = @transform_3, window_bounds = array<i64: 32, 32>}, {pipeline_mode = #tpu.pipeline_mode<synchronous>, transform_indices = @transform_4, window_bounds = array<i64: 2, 32>}, {pipeline_mode = #tpu.pipeline_mode<synchronous>, transform_indices = @transform_5, window_bounds = array<i64: 32, 64>}, {pipeline_mode = #tpu.pipeline_mode<synchronous>, transform_indices = @transform_6, window_bounds = array<i64: 2, 64>}, {transform_indices = @transform_7, window_bounds = array<i64: 1, 1024, 64>}]} {
    %get3A = arith.constant 0 : index
    %get3A_0 = arith.constant 0 : index
    %get3A_1 = arith.constant 0 : index
    %get3A_2 = arith.constant 0 : index
    %get3A_3 = vector.load %arg2[%get3A, %get3A_0, %get3A_1, %get3A_2] : memref<1x8x1024x32xf32, #tpu.memory_space<vmem>>, vector<1x8x1024x32xf32>
    %get3A_4 = vector.shape_cast %get3A_3 : vector<1x8x1024x32xf32> to vector<8x1024x32xf32>
    %reshape3A = vector.shape_cast %get3A_4 : vector<8x1024x32xf32> to vector<8192x32xf32>
    %get3A_5 = arith.constant 0 : index
    %get3A_6 = arith.constant 0 : index
    %get3A_7 = vector.load %arg3[%get3A_5, %get3A_6] : memref<32x32xf32, #tpu.memory_space<vmem>>, vector<32x32xf32>
    %dot_general3A = arith.constant dense<0.000000e+00> : vector<8192x32xf32>
    %dot_general3A_8 = tpu.matmul %reshape3A, %get3A_7, %dot_general3A {dimension_numbers = #tpu.dot_dimension_numbers<[1], [0], [0], [1], [0, 0, 1, 1], [], []>, transpose_lhs_hint = false} : vector<8192x32xf32>, vector<32x32xf32>, vector<8192x32xf32> -> vector<8192x32xf32>
    %get3A_9 = arith.constant 0 : index
    %get3A_10 = arith.constant 0 : index
    %get3A_11 = vector.load %arg4[%get3A_9, %get3A_10] : memref<2x32xf32, #tpu.memory_space<vmem>>, vector<1x32xf32>
    %mul3A = vector.broadcast %get3A_11 : vector<1x32xf32> to vector<8192x32xf32>
    %mul3A_12 = arith.mulf %dot_general3A_8, %mul3A : vector<8192x32xf32>
    %get3A_13 = arith.constant 1 : index
    %get3A_14 = arith.constant 0 : index
    %get3A_15 = vector.load %arg4[%get3A_13, %get3A_14] : memref<2x32xf32, #tpu.memory_space<vmem>>, vector<1x32xf32>
    %add3A = vector.broadcast %get3A_15 : vector<1x32xf32> to vector<8192x32xf32>
    %add3A_16 = arith.addf %mul3A_12, %add3A : vector<8192x32xf32>
    %max3A = arith.constant 0.000000e+00 : f32
    %max3A_17 = vector.broadcast %max3A : f32 to vector<8192x32xf32>
    %max3A_18 = arith.maximumf %add3A_16, %max3A_17 : vector<8192x32xf32>
    %get3A_19 = arith.constant 0 : index
    %get3A_20 = arith.constant 0 : index
    %get3A_21 = vector.load %arg5[%get3A_19, %get3A_20] : memref<32x32xf32, #tpu.memory_space<vmem>>, vector<32x32xf32>
    %dot_general3A_22 = arith.constant dense<0.000000e+00> : vector<8192x32xf32>
    %dot_general3A_23 = tpu.matmul %max3A_18, %get3A_21, %dot_general3A_22 {dimension_numbers = #tpu.dot_dimension_numbers<[1], [0], [0], [1], [0, 0, 1, 1], [], []>, transpose_lhs_hint = false} : vector<8192x32xf32>, vector<32x32xf32>, vector<8192x32xf32> -> vector<8192x32xf32>
    %get3A_24 = arith.constant 0 : index
    %get3A_25 = arith.constant 0 : index
    %get3A_26 = vector.load %arg6[%get3A_24, %get3A_25] : memref<2x32xf32, #tpu.memory_space<vmem>>, vector<1x32xf32>
    %mul3A_27 = vector.broadcast %get3A_26 : vector<1x32xf32> to vector<8192x32xf32>
    %mul3A_28 = arith.mulf %dot_general3A_23, %mul3A_27 : vector<8192x32xf32>
    %get3A_29 = arith.constant 1 : index
    %get3A_30 = arith.constant 0 : index
    %get3A_31 = vector.load %arg6[%get3A_29, %get3A_30] : memref<2x32xf32, #tpu.memory_space<vmem>>, vector<1x32xf32>
    %add3A_32 = vector.broadcast %get3A_31 : vector<1x32xf32> to vector<8192x32xf32>
    %add3A_33 = arith.addf %mul3A_28, %add3A_32 : vector<8192x32xf32>
    %max3A_34 = arith.constant 0.000000e+00 : f32
    %max3A_35 = vector.broadcast %max3A_34 : f32 to vector<8192x32xf32>
    %max3A_36 = arith.maximumf %add3A_33, %max3A_35 : vector<8192x32xf32>
    %get3A_37 = arith.constant 0 : index
    %get3A_38 = arith.constant 0 : index
    %get3A_39 = vector.load %arg7[%get3A_37, %get3A_38] : memref<32x64xf32, #tpu.memory_space<vmem>>, vector<32x64xf32>
    %dot_general3A_40 = arith.constant dense<0.000000e+00> : vector<8192x64xf32>
    %dot_general3A_41 = tpu.matmul %max3A_36, %get3A_39, %dot_general3A_40 {dimension_numbers = #tpu.dot_dimension_numbers<[1], [0], [0], [1], [0, 0, 1, 1], [], []>, transpose_lhs_hint = false} : vector<8192x32xf32>, vector<32x64xf32>, vector<8192x64xf32> -> vector<8192x64xf32>
    %get3A_42 = arith.constant 0 : index
    %get3A_43 = arith.constant 0 : index
    %get3A_44 = vector.load %arg8[%get3A_42, %get3A_43] : memref<2x64xf32, #tpu.memory_space<vmem>>, vector<1x64xf32>
    %mul3A_45 = vector.broadcast %get3A_44 : vector<1x64xf32> to vector<8192x64xf32>
    %mul3A_46 = arith.mulf %dot_general3A_41, %mul3A_45 : vector<8192x64xf32>
    %get3A_47 = arith.constant 1 : index
    %get3A_48 = arith.constant 0 : index
    %get3A_49 = vector.load %arg8[%get3A_47, %get3A_48] : memref<2x64xf32, #tpu.memory_space<vmem>>, vector<1x64xf32>
    %add3A_50 = vector.broadcast %get3A_49 : vector<1x64xf32> to vector<8192x64xf32>
    %add3A_51 = arith.addf %mul3A_46, %add3A_50 : vector<8192x64xf32>
    %max3A_52 = arith.constant 0.000000e+00 : f32
    %max3A_53 = vector.broadcast %max3A_52 : f32 to vector<8192x64xf32>
    %max3A_54 = arith.maximumf %add3A_51, %max3A_53 : vector<8192x64xf32>
    %reshape3A_55 = vector.shape_cast %max3A_54 : vector<8192x64xf32> to vector<8x1024x64xf32>
    %reduce_max3A = arith.constant dense<0xFF800000> : vector<1024x64xf32>
    %reduce_max3A_56 = vector.multi_reduction <maximumf>, %reshape3A_55, %reduce_max3A [0] : vector<8x1024x64xf32> to vector<1024x64xf32>
    %eq3A = arith.constant 0 : i32
    %eq3A_57 = arith.cmpi eq, %arg1, %eq3A : i32
    %convert_element_type3A = arith.extui %eq3A_57 : i1 to i32
    %cond3A = arith.constant 0 : i32
    %cond3A_58 = arith.cmpi ne, %convert_element_type3A, %cond3A : i32
    scf.if %cond3A_58 {
      %swap3A = arith.constant 0 : index
      %swap3A_63 = arith.constant 0 : index
      %swap3A_64 = arith.constant 0 : index
      %swap3A_65 = vector.load %arg9[%swap3A, %swap3A_63, %swap3A_64] : memref<1x1024x64xf32, #tpu.memory_space<vmem>>, vector<1x1024x64xf32>
      %swap3A_66 = vector.shape_cast %swap3A_65 : vector<1x1024x64xf32> to vector<1024x64xf32>
      %swap3A_67 = vector.shape_cast %reduce_max3A_56 : vector<1024x64xf32> to vector<1x1024x64xf32>
      tpu.vector_store %arg9[%swap3A, %swap3A_63, %swap3A_64], %swap3A_67 {strides = array<i32>} : memref<1x1024x64xf32, #tpu.memory_space<vmem>>, vector<1x1024x64xf32>,
    } else {
    }
    %ne3A = arith.constant 0 : i32
    %ne3A_59 = arith.cmpi ne, %arg1, %ne3A : i32
    %convert_element_type3A_60 = arith.extui %ne3A_59 : i1 to i32
    %cond3A_61 = arith.constant 0 : i32
    %cond3A_62 = arith.cmpi ne, %convert_element_type3A_60, %cond3A_61 : i32
    scf.if %cond3A_62 {
      %get3A_63 = arith.constant 0 : index
      %get3A_64 = arith.constant 0 : index
      %get3A_65 = arith.constant 0 : index
      %get3A_66 = vector.load %arg9[%get3A_63, %get3A_64, %get3A_65] : memref<1x1024x64xf32, #tpu.memory_space<vmem>>, vector<1x1024x64xf32>
      %get3A_67 = vector.shape_cast %get3A_66 : vector<1x1024x64xf32> to vector<1024x64xf32>
      %max3A_68 = arith.maximumf %get3A_67, %reduce_max3A_56 : vector<1024x64xf32>
      %swap3A = arith.constant 0 : index
      %swap3A_69 = arith.constant 0 : index
      %swap3A_70 = arith.constant 0 : index
      %swap3A_71 = vector.load %arg9[%swap3A, %swap3A_69, %swap3A_70] : memref<1x1024x64xf32, #tpu.memory_space<vmem>>, vector<1x1024x64xf32>
      %swap3A_72 = vector.shape_cast %swap3A_71 : vector<1x1024x64xf32> to vector<1024x64xf32>
      %swap3A_73 = vector.shape_cast %max3A_68 : vector<1024x64xf32> to vector<1x1024x64xf32>
      tpu.vector_store %arg9[%swap3A, %swap3A_69, %swap3A_70], %swap3A_73 {strides = array<i32>} : memref<1x1024x64xf32, #tpu.memory_space<vmem>>, vector<1x1024x64xf32>,
    } else {
    }
    return
  }
  func.func @transform_0(%arg0: i32, %arg1: i32) -> (i32, i32, i32, i32) {
    %c0_i32 = arith.constant 0 : i32
    %c0_i32_0 = arith.constant 0 : i32
    %c0_i32_1 = arith.constant 0 : i32
    return %arg0, %arg1, %c0_i32, %c0_i32_0 : i32, i32, i32, i32
  }
  func.func @transform_1(%arg0: i32, %arg1: i32) -> (i32, i32) {
    %c0_i32 = arith.constant 0 : i32
    %c0_i32_0 = arith.constant 0 : i32
    %c0_i32_1 = arith.constant 0 : i32
    return %c0_i32, %c0_i32_0 : i32, i32
  }
  func.func @transform_2(%arg0: i32, %arg1: i32) -> (i32, i32) {
    %c0_i32 = arith.constant 0 : i32
    %c0_i32_0 = arith.constant 0 : i32
    %c0_i32_1 = arith.constant 0 : i32
    return %c0_i32, %c0_i32_0 : i32, i32
  }
  func.func @transform_3(%arg0: i32, %arg1: i32) -> (i32, i32) {
    %c0_i32 = arith.constant 0 : i32
    %c0_i32_0 = arith.constant 0 : i32
    %c0_i32_1 = arith.constant 0 : i32
    return %c0_i32, %c0_i32_0 : i32, i32
  }
  func.func @transform_4(%arg0: i32, %arg1: i32) -> (i32, i32) {
    %c0_i32 = arith.constant 0 : i32
    %c0_i32_0 = arith.constant 0 : i32
    %c0_i32_1 = arith.constant 0 : i32
    return %c0_i32, %c0_i32_0 : i32, i32
  }
  func.func @transform_5(%arg0: i32, %arg1: i32) -> (i32, i32) {
    %c0_i32 = arith.constant 0 : i32
    %c0_i32_0 = arith.constant 0 : i32
    %c0_i32_1 = arith.constant 0 : i32
    return %c0_i32, %c0_i32_0 : i32, i32
  }
  func.func @transform_6(%arg0: i32, %arg1: i32) -> (i32, i32) {
    %c0_i32 = arith.constant 0 : i32
    %c0_i32_0 = arith.constant 0 : i32
    %c0_i32_1 = arith.constant 0 : i32
    return %c0_i32, %c0_i32_0 : i32, i32
  }
  func.func @transform_7(%arg0: i32, %arg1: i32) -> (i32, i32, i32) {
    %c0_i32 = arith.constant 0 : i32
    %c0_i32_0 = arith.constant 0 : i32
    %c0_i32_1 = arith.constant 0 : i32
    return %arg0, %c0_i32, %c0_i32_0 : i32, i32, i32
  }
}

</mosaic_0001>

<sc_bundles>
// kernel: kernel.9.cloned.1.call-start
scs
__scs_entry_jumppad:
0x0: {  	(pc) =	sbr.rel $0x88, $3  }
0x1: {  	(tag) =	ssettag $0x0;
	lr =	simm.s32 $0x1  }
0x2: {  	[smem:$0x3F96] =	sst lr;
	_ =	strace $0xD0000000  }
0x3: {  	_ = 	snop  }
0x4: {  	_ = 	snop  }
0x5: {  	_ = 	snop  }
0x6: {  	_ = 	snop  }
0x7: {  	_ = 	snop  }
__scs_overlays_trampoline_lowered:
0x8: {  	[smem:$0x3FA5] =	sst s0  }
0x9: {  	[smem:$0x3FA6] =	sst s1  }
0xa: {  	[smem:$0x3FA7] =	sst s2  }
0xb: {  	[smem:$0x3FA8] =	sst s3  }
0xc: {  	[smem:$0x3FA9] =	sst s4  }
0xd: {  	[smem:$0x3FAA] =	sst s5  }
0xe: {  	[smem:$0x3FAB] =	sst s6  }
0xf: {  	[smem:$0x3FAC] =	sst s7  }
0x10: {  	[smem:$0x3FAD] =	sst s8  }
0x11: {  	[smem:$0x3FAE] =	sst s9;
	s0 =	simm.s32 @!p0 $0x0  }
0x12: {  	s1 =	sld [smem:$0x3F94];
	s0 =	simm.s32 @p0 $0x1  }
0x13: {  	[smem:$0x3FAF] =	sst s0;
	s0 =	simm.s32 @!p1 $0x0  }
0x14: {  	s2 =	sld [smem:$0x3F93];
	s0 =	simm.s32 @p1 $0x1  }
0x15: {  	[smem:$0x3FB0] =	sst s0;
	s0 =	simm.s32 @!p2 $0x0  }
0x16: {  	s3 =	sld [smem:$0x3FDB];
	s0 =	simm.s32 @p2 $0x1  }
0x17: {  	s4 =	simm.s32 $0x1BF5;
	[smem:$0x3FB2] =	sst s0  }
0x18: {  	s0 =	sld [smem:$0x3F95];
	_ =	swait.ge [sflag:s4], $0x0  }
0x19: {  	s7 =	sld [smem:$0x3F96]  }
0x1a: {  	s8 =	sadd.s32 $0xFFFFE003, lr  }
0x1b: {  	s9 =	sadd.s32 $0xFFFFFEF7, lr;
	s5 =	simm.s32 $0xFFFFFFFF;
	p2 =	slt.u32 s8, $0xFFFFF086  }
0x1c: {  	p1 =	slt.u32 s9, $0xF7A;
	s5 =	simm.s32 @!p2 $0x0  }
0x1d: {  	s5 =	simm.s32 @p1 $0x1;
	p0 =	seq.s32 s7, s2  }
0x1e: {  	s7 =	smul.u32 @!p0 $0xF7A, s2;
	p2 =	seq.s32 @!p0 s5, $0x0  }
0x1f: {  	s9 =	smul.u32 $0xF7A, s1;
	s8 =	simm.s32 @!p0 $0x1BF5;
	p2 =	por !p2, p0  }
0x20: {  	[sflag:s8] =	ssyncset.s32 @!p0 $0xFFFFF086;
	s6 =	sadd.s32 @!p0 s3, s7;
	s7 =	simm.s32 @!p0 $0x108  }
0x21: {  	s3 =	sadd.s32 s3, s9;
	s6 =	sadd.s32 @!p0 $0x88, s6;
	s7 =	simm.s32 @p2 $0x1082  }
0x22: {  	[simem:s7], [sflag:s8] =	dma.local @!p0 [hbm:s6], $0xF7A  }
0x23: {  	s9 =	sor.u32 $0xD0000000, s2;
	s6 =	simm.s32 $0x108;
	_ =	swait.ge @!p0 [sflag:s8], $0x0  }
0x24: {  	s3 =	sadd.s32 $0x88, s3;
	s6 =	simm.s32 @!p1 $0x1082;
	[sflag:s4] =	ssyncset.s32 $0xFFFFF086  }
0x25: {  	[simem:s6], [sflag:s4] =	dma.local [hbm:s3], $0xF7A  }
0x26: {  	[smem:$0x3F96] =	sst s1;
	(tag) =	ssettag s2;
	_ =	strace s9  }
0x27: {  	s1 =	sld [smem:$0x3FA6]  }
0x28: {  	s2 =	sld [smem:$0x3FA7]  }
0x29: {  	s4 =	sld [smem:$0x3FA9]  }
0x2a: {  	p0 =	seq.s32 s5, $0x0;
	s5 =	sld [smem:$0x3FAA]  }
0x2b: {  	s6 =	sld [smem:$0x3FAB]  }
0x2c: {  	s7 =	sld [smem:$0x3FAC]  }
0x2d: {  	s3 =	simm.s32 $0x108;
	s8 =	sld [smem:$0x3FAD]  }
0x2e: {  	s3 =	simm.s32 @!p0 $0x1082;
	s9 =	sld [smem:$0x3FAE]  }
0x2f: {  	lr =	sadd.s32 s0, s3;
	s0 =	sld [smem:$0x3FA5]  }
0x30: {  	s3 =	sld [smem:$0x3FA8]  }
0x31: {  	[smem:$0x3FB1] =	sst s10  }
0x32: {  	s10 =	sld [smem:$0x3FAF];
	_ =	sdelay $0x3  }
0x33: {  	p0 =	seq.s32 s10, $0x1;
	s10 =	sld [smem:$0x3FB1];
	_ =	sdelay $0x3  }
0x34: {  	[smem:$0x3FB1] =	sst s10  }
0x35: {  	s10 =	sld [smem:$0x3FB0];
	_ =	sdelay $0x3  }
0x36: {  	p1 =	seq.s32 s10, $0x1;
	s10 =	sld [smem:$0x3FB1];
	_ =	sdelay $0x3  }
0x37: {  	[smem:$0x3FB1] =	sst s10  }
0x38: {  	s10 =	sld [smem:$0x3FB2]  }
0x39: {  	_ = 	snop;
	(pc) =	sbr.ind lr, $3  }
0x3a: {  	_ = 	snop  }
0x3b: {  	_ = 	snop  }
0x3c: {  	p2 =	seq.s32 s10, $0x1;
	s10 =	sld [smem:$0x3FB1]  }
0x3d: {  	_ =	shalt  }
0x3e: {  	_ =	shalt  }
0x3f: {  	_ =	shalt  }
0x40: {  	_ =	shalt  }
0x41: {  	_ =	shalt  }
0x42: {  	_ =	shalt  }
0x43: {  	_ =	shalt  }
0x44: {  	_ =	shalt  }
0x45: {  	_ =	shalt  }
0x46: {  	_ =	shalt  }
0x47: {  	_ =	shalt  }
0x48: {  	_ =	shalt  }
0x49: {  	_ =	shalt  }
0x4a: {  	_ =	shalt  }
0x4b: {  	_ =	shalt  }
0x4c: {  	_ =	shalt  }
0x4d: {  	_ =	shalt  }
0x4e: {  	_ =	shalt  }
0x4f: {  	_ =	shalt  }
0x50: {  	_ =	shalt  }
0x51: {  	_ =	shalt  }
0x52: {  	_ =	shalt  }
0x53: {  	_ =	shalt  }
0x54: {  	_ =	shalt  }
0x55: {  	_ =	shalt  }
0x56: {  	_ =	shalt  }
0x57: {  	_ =	shalt  }
0x58: {  	_ =	shalt  }
0x59: {  	_ =	shalt  }
0x5a: {  	_ =	shalt  }
0x5b: {  	_ =	shalt  }
0x5c: {  	_ =	shalt  }
0x5d: {  	_ =	shalt  }
0x5e: {  	_ =	shalt  }
0x5f: {  	_ =	shalt  }
0x60: {  	_ =	shalt  }
0x61: {  	_ =	shalt  }
0x62: {  	_ =	shalt  }
0x63: {  	_ =	shalt  }
0x64: {  	_ =	shalt  }
0x65: {  	_ =	shalt  }
0x66: {  	_ =	shalt  }
0x67: {  	_ =	shalt  }
0x68: {  	_ =	shalt  }
0x69: {  	_ =	shalt  }
0x6a: {  	_ =	shalt  }
0x6b: {  	_ =	shalt  }
0x6c: {  	_ =	shalt  }
0x6d: {  	_ =	shalt  }
0x6e: {  	_ =	shalt  }
0x6f: {  	_ =	shalt  }
0x70: {  	_ =	shalt  }
0x71: {  	_ =	shalt  }
0x72: {  	_ =	shalt  }
0x73: {  	_ =	shalt  }
0x74: {  	_ =	shalt  }
0x75: {  	_ =	shalt  }
0x76: {  	_ =	shalt  }
0x77: {  	_ =	shalt  }
0x78: {  	_ =	shalt  }
0x79: {  	_ =	shalt  }
0x7a: {  	_ =	shalt  }
0x7b: {  	_ =	shalt  }
0x7c: {  	_ =	shalt  }
0x7d: {  	_ =	shalt  }
0x7e: {  	_ =	shalt  }
0x7f: {  	_ =	shalt  }
0x80: {  	_ =	shalt  }
0x81: {  	_ =	shalt  }
0x82: {  	_ =	shalt  }
0x83: {  	_ =	shalt  }
0x84: {  	_ =	shalt  }
0x85: {  	_ =	shalt  }
0x86: {  	_ =	shalt  }
0x87: {  	_ =	shalt  }
.Lfunc_end0:
.L_simem_size_0:
called_computation_lowered:
.L_overlay_start_0:
0x88: {  	s2 =	sld [smem:$0x3FD9]  }
0x89: {  	s3 =	sld [smem:$0x3FFE];
	_ =	sdelay $0x1  }
0x8a: {  	s1 =	srdreg.scid  }
0x8b: {  	s0 =	sand.u32 $0x1, s1  }
0x8c: {  	s14 =	sshll.u32 s0, $0xA;
	s2 =	sadd.s32 s3, s2  }
0x8d: {  	s2 =	sadd.s32 s2, s14  }
0x8e: {  	[smem:$0x3FBD] =	sst s2  }
0x8f: {  	_ = 	snop  }
0x90: {  	s2 =	sld [smem:$0x3FD0];
	_ =	sdelay $0x2  }
0x91: {  	s15 =	simm.s32 $0xA;
	s4 =	simm.s32 $0x10  }
0x92: {  	[smem:s4], [sflag:s15] =	dma.local [hbm:s2], $0x1  }
0x93: {  	_ =	swait.eq [sflag:s15], $0x1  }
0x94: {  	[sflag:s15] =	ssyncset.done $0x0  }
0x95: {  	[sflag:s15] =	ssyncadd.s32 $0xFFFFFFFF  }
0x96: {  	s16 =	sld [smem:$0x11];
	(tm) =	ssettm $0x1  }
0x97: {  	s17 =	sld [smem:$0x3FFB];
	_ =	sdelay $0x3  }
0x98: {  	_ =	strace s17  }
0x99: {  	s3 =	sld [smem:$0x3FFC];
	_ =	sdelay $0x3  }
0x9a: {  	_ =	strace s3  }
0x9b: {  	s3 =	sld [smem:$0x3FFD];
	_ =	sdelay $0x3  }
0x9c: {  	_ =	strace s3  }
0x9d: {  	_ =	strace $0x8FFFFFFF  }
0x9e: {  	s18 =	sld [smem:$0x3FDB];
	_ =	sdelay $0x1  }
0x9f: {  	s19 =	simm.s32 $_scs_section_size  }
0xa0: {  	s5 =	simm.s32 $_size__tile_overlayer_lowered;
	s6 =	simm.s32 $_tile_overlayer_lowered  }
0xa1: {  	s22 =	simm.s32 $0x1BFF;
	s21 =	sshll.u32 s6, $0x1;
	s3 =	sadd.s32 s19, s18  }
0xa2: {  	s7 =	simm.s32 $0x0;
	s20 =	sshll.u32 s5, $0x1;
	s5 =	sadd.s32 s21, s3  }
0xa3: {  	[timem:s7], [sflag:s22] =	dma.local [hbm:s5], s20  }
0xa4: {  	_ =	swait.ge [sflag:s22], s20  }
0xa5: {  	s4 =	ssub.s32 $0x0, s20;
	[sflag:s22] =	ssyncset.done $0x0  }
0xa6: {  	[sflag:s22] =	ssyncadd.s32 s4;
	_ =	sdelay $0x1  }
0xa7: {  	s23 =	simm.s32 $0x1B8B  }
0xa8: {  	_ =	swait.ge [sflag:s23], $0x1  }
0xa9: {  	[sflag:s23] =	ssyncset.done $0x0  }
0xaa: {  	s25 =	simm.s32 $0x1B8E;
	s24 =	sld [smem:$0x3FFE];
	[sflag:s23] =	ssyncadd.s32 $0xFFFFFFFF  }
0xab: {  	s26 =	simm.s32 $execute0_lowered;
	[smem:$0x3FD2] =	sst s25  }
0xac: {  	s5 =	sshll.u32 s26, $0x1;
	_ =	strace $0x80000046;
	[dreg:$0x1] =	wrdreg $0xFFFFFFFF  }
0xad: {  	s28 =	simm.s32 $_size_execute0_lowered;
	s3 =	sadd.s32 s3, s5;
	[dreg:$0x0] =	wrdreg $0x0  }
0xae: {  	s5 =	sshll.u32 s28, $0x1;
	[dreg:$0x2] =	wrdreg s3  }
0xaf: {  	[dreg:$0x3] =	wrdreg s5  }
0xb0: {  	[dreg:$0x4] =	wrdreg $0xC0  }
0xb1: {  	_ =	task [dreg:s7], $0x5FFFF  }
0xb2: {  	[dreg:$0x1] =	wrdreg $0xFFFFFFFF  }
0xb3: {  	[dreg:$0x0] =	wrdreg $0x60  }
0xb4: {  	[dreg:$0x2] =	wrdreg s24  }
0xb5: {  	[dreg:$0x3] =	wrdreg s16  }
0xb6: {  	[dreg:$0x4] =	wrdreg $0x9  }
0xb7: {  	_ =	task.clear_ibuf [dreg:s7], $0x5FFFF;
	_ =	strace $0x90000046  }
0xb8: {  	s29 =	simm.s32 $0x9;
	_ =	strace $0x80000048  }
0xb9: {  	_ =	swait.ge [sflag:s29], $0x1  }
0xba: {  	[sflag:s29] =	ssyncadd.s32 $0xFFFFFFFF  }
0xbb: {  	_ =	strace $0x90000048  }
0xbc: {  	_ =	sfence  }
0xbd: {  	s30 =	sld [smem:$0x0];
	_ =	sdelay $0x2  }
0xbe: {  	s31 =	sshll.u32 s1, $0xD;
	s1 =	sshrl.u32 s1, $0x2  }
0xbf: {  	s3 =	sand.u32 $0x4000, s31;
	s1 =	sadd.s32 s1, s30  }
0xc0: {  	s0 =	sor.u32 s3, s0;
	s1 =	sshll.u32 s1, $0x11  }
0xc1: {  	s0 =	sor.u32 s1, s0  }
0xc2: {  	s0 =	sadd.s32 $0x8F2B, s0  }
0xc3: {  	[sflag:s0] =	ssyncadd.remote.s32 $0x1  }
0xc4: {  	_ =	sfence.sel $0xFFFF  }
0xc5: {  	[dreg:$0x0] =	wrdreg $0xFFFFFFFF;
	(pc) =	sbr.abs _section_cstart, $3  }
0xc6: {  	[dreg:$0x1] =	wrdreg $0xFFFFFFFF  }
0xc7: {  	_ =	task.clear_ibuf [dreg:s7], $0x2FFFF;
	_ =	strace $0x9FFFFFFF  }
0xc8: {  	(tm) =	ssettm $0x7FFFFFFF  }
0xc9: {  	_ =	shalt  }
tec
execute0_lowered:
.L_overlay_start_1:
0x0: {  	(tag) =	ssettag $0x1  }
0x1: {  	s4 =	rddreg [dreg:$0x0]  }
0x2: {  	s6 =	rddreg [dreg:$0x1]  }
0x3: {  	s0 =	rddreg [dreg:$0x2];
	s2 =	simm.s32 $0x0  }
0x4: {  	s1 =	stileid.u32;
	s3 =	srdreg.scid;
	s11 =	simm.s32 $0x1  }
0x5: {  	s12 =	simm.s32 $0x2;
	s13 =	simm.s32 $0x0;
	[smem:$0x7FF] =	sst s2  }
0x6: {  	s5 =	sshll.u32 s1, $0x12;
	s7 =	sand.u32 $0x1, s3;
	s3 =	sadd.s32 $0x83800, s4  }
0x7: {  	s9 =	sshll.u32 s1, $0xE;
	_ =	strace $0x80000047;
	s5 =	sadd.s32 s5, s4  }
0x8: {  	s29 =	ssub.s32 $0x2, s7;
	s10 =	sshll.u32 s7, $0xD;
	s7 =	sshll.u32 s7, $0x11  }
0x9: {  	s8 =	sshrl.u32 s29, $0x1;
	s30 =	sor.u32 s10, s9;
	s5 =	sadd.s32 s7, s5  }
0xa: {  	s7 =	simm.s32 $0x3;
	s9 =	simm.s32 $0x100;
	s10 =	simm.s32 $0x4100  }
0xb: {  	s4 =	ssub.s32 s29, s8;
	s31 =	sshrl.u32 s30, $0x3;
	s5 =	sadd.s32 $0x103800, s5  }
0xc: {  	s8 =	simm.s32 $0x80;
	s4 =	smax.u32 s4, $0x1;
	s6 =	sadd.s32 s31, s6  }
.LBB2_1:
0xd: {  	s14 =	sadd.s32 $0x0, s6  }
0xe: {  	[tilespmem:s2], [sflag:$0x3] =	stream.linear.gather [hbm4b:s14+s2], $0x100, $0x38;
	[tilespmem:$0x8100] =	vst v63  }
0xf: {  	_ =	swait.ge [sflag:s7], $0x100  }
0x10: {  	[sflag:s7] =	ssyncset.done $0x0  }
0x11: {  	[sflag:s7] =	ssyncadd.s32 $0xFFFFFF00  }
0x12: {  	[tilespmem:s9], [sflag:$0x1] =	stream.indirect.gather [hbm4b:s3+s8], $0x80, s2, s8, $0xb8;
	[tilespmem:$0x8100] =	vst v63  }
0x13: {  	_ = 	snop  }
0x14: {  	[tilespmem:s10], [sflag:$0x2] =	stream.indirect.gather [hbm4b:s3+s8], $0x80, s8, s8, $0xb8;
	[tilespmem:$0x8100] =	vst v63  }
0x15: {  	_ =	swait.ge [sflag:s11], $0x4000  }
0x16: {  	[sflag:s11] =	ssyncset.done $0x0  }
0x17: {  	[sflag:s11] =	ssyncadd.s32 $0xFFFFC000  }
0x18: {  	_ =	swait.ge [sflag:s12], $0x4000  }
0x19: {  	[sflag:s12] =	ssyncset.done $0x0  }
0x1a: {  	[sflag:s12] =	ssyncadd.s32 $0xFFFFC000  }
0x1b: {  	[hbm4b:s5+s2] =	stream.linear.scatter [tilespmem:s9], [sflag:$0x3], $0x8000, $0x38;
	[tilespmem:$0x8100] =	vst v63  }
0x1c: {  	s15 =	simm.s32 $0x20;
	_ =	swait.ge [sflag:s7], $0x8000  }
0x1d: {  	s16 =	simm.s32 $0x40;
	s14 =	sadd.s32 $0x1000, s5;
	[sflag:s7] =	ssyncset.done $0x0  }
.LBB2_2:
0x1e: {  	s17 =	sadd.s32 s15, s6  }
0x1f: {  	[sflag:s7] =	ssyncadd.s32 $0xFFFF8000;
	s15 =	smov.u32 s16;
	s18 =	sadd.s32 $0x20, s16  }
0x20: {  	[tilespmem:s2], [sflag:$0x3] =	stream.linear.gather [hbm4b:s17+s2], $0x100, $0x38;
	[tilespmem:$0x8100] =	vst v63  }
0x21: {  	p0 =	sne.s32 s16, $0x3E0;
	_ =	swait.ge [sflag:s7], $0x100  }
0x22: {  	[sflag:s7] =	ssyncset.done $0x0  }
0x23: {  	[sflag:s7] =	ssyncadd.s32 $0xFFFFFF00  }
0x24: {  	[tilespmem:s9], [sflag:$0x1] =	stream.indirect.gather [hbm4b:s3+s8], $0x80, s2, s8, $0xb8;
	[tilespmem:$0x8100] =	vst v63  }
0x25: {  	_ = 	snop  }
0x26: {  	[tilespmem:s10], [sflag:$0x2] =	stream.indirect.gather [hbm4b:s3+s8], $0x80, s8, s8, $0xb8;
	[tilespmem:$0x8100] =	vst v63  }
0x27: {  	_ =	swait.ge [sflag:s11], $0x4000  }
0x28: {  	[sflag:s11] =	ssyncset.done $0x0  }
0x29: {  	[sflag:s11] =	ssyncadd.s32 $0xFFFFC000  }
0x2a: {  	_ =	swait.ge [sflag:s12], $0x4000  }
.Ltmp0:
0x2b: {  	[sflag:s12] =	ssyncset.done $0x0;
	(pc) =	sbr.rel @p0 .LBB2_2-.Ltmp0, $4  }
0x2c: {  	[sflag:s12] =	ssyncadd.s32 $0xFFFFC000  }
0x2d: {  	[hbm4b:s14+s2] =	stream.linear.scatter [tilespmem:s9], [sflag:$0x3], $0x8000, $0x38;
	[tilespmem:$0x8100] =	vst v63  }
0x2e: {  	_ =	swait.ge [sflag:s7], $0x8000  }
0x2f: {  	s16 =	smov.u32 s18;
	s14 =	sadd.s32 $0x1000, s14;
	[sflag:s7] =	ssyncset.done $0x0  }
0x30: {  	s15 =	sadd.s32 s15, s6;
	[sflag:s7] =	ssyncadd.s32 $0xFFFF8000  }
0x31: {  	[tilespmem:s2], [sflag:$0x3] =	stream.linear.gather [hbm4b:s15+s2], $0x100, $0x38;
	[tilespmem:$0x8100] =	vst v63  }
0x32: {  	_ =	swait.ge [sflag:s7], $0x100  }
0x33: {  	[sflag:s7] =	ssyncset.done $0x0  }
0x34: {  	[sflag:s7] =	ssyncadd.s32 $0xFFFFFF00  }
0x35: {  	[tilespmem:s9], [sflag:$0x1] =	stream.indirect.gather [hbm4b:s3+s8], $0x80, s2, s8, $0xb8;
	[tilespmem:$0x8100] =	vst v63  }
0x36: {  	_ = 	snop  }
0x37: {  	[tilespmem:s10], [sflag:$0x2] =	stream.indirect.gather [hbm4b:s3+s8], $0x80, s8, s8, $0xb8;
	[tilespmem:$0x8100] =	vst v63  }
0x38: {  	_ =	swait.ge [sflag:s11], $0x4000  }
0x39: {  	[sflag:s11] =	ssyncset.done $0x0  }
0x3a: {  	[sflag:s11] =	ssyncadd.s32 $0xFFFFC000  }
0x3b: {  	s13 =	sadd.s32 $0x1, s13;
	_ =	swait.ge [sflag:s12], $0x4000  }
0x3c: {  	p0 =	sne.s32 s13, s4;
	[sflag:s12] =	ssyncset.done $0x0  }
.Ltmp1:
0x3d: {  	[sflag:s12] =	ssyncadd.s32 $0xFFFFC000;
	(pc) =	sbr.rel @p0 .LBB2_1-.Ltmp1, $4  }
0x3e: {  	[hbm4b:s14+s2] =	stream.linear.scatter [tilespmem:s9], [sflag:$0x3], $0x8000, $0x38;
	[tilespmem:$0x8100] =	vst v63  }
0x3f: {  	_ =	swait.ge [sflag:s7], $0x8000  }
0x40: {  	[sflag:s7] =	ssyncset.done $0x0  }
0x41: {  	[sflag:s7] =	ssyncadd.s32 $0xFFFF8000  }
0x42: {  	_ =	sfence.sel $0x180000  }
0x43: {  	[bflag:$0x0] =	sbarrier.arrive $0xFFFF  }
0x44: {  	p0 =	sne.s32 s1, $0x0;
	_ =	strace $0x90000047  }
0x45: {  	s0 =	sadd.s32 @!p0 $0x100000, s0;
	[bflag:$0x2] =	sbarrier.arrive $0xFFFF  }
0x46: {  	[sflag:s0] =	ssyncadd.tile.s32 @!p0 $0x1;
	_ =	shalt  }
.Lfunc_end2:
_tile_overlayer_lowered:
.L_overlay_start_2:
0x47: {  	(tag) =	ssettag $0x2  }
0x48: {  	s0 =	rddreg [dreg:$0x0];
	s2 =	stileid.u32  }
0x49: {  	s1 =	rddreg [dreg:$0x1];
	p0 =	sne.s32 s2, $0x0  }
0x4a: {  	s3 =	rddreg [dreg:$0x2];
	[bflag:$0x3] =	sbarrier.arrive $0xFFFF;
	s2 =	simm.s32 @!p0 $0x1C03  }
0x4b: {  	[timem:s3], [sflag:s2] =	dma.local @!p0 [hbm:s0], s1  }
0x4c: {  	s0 =	simm.s32 @!p0 $0x3  }
0x4d: {  	_ =	swait.ge @!p0 [sflag:s0], s1  }
0x4e: {  	s1 =	ssub.s32 @!p0 $0x0, s1;
	[sflag:s0] =	ssyncset.done @!p0 $0x0  }
0x4f: {  	[sflag:s0] =	ssyncadd.s32 @!p0 s1  }
0x50: {  	[bflag:$0x3] =	sbarrier.arrive $0xFFFF  }
0x51: {  	_ =	shalt  }

</sc_bundles>
